<compile_context>
chip_gen: v7x
topology: tpu7x:2x2x1
jax: 0.10.2.dev20260603
libtpu: 0.0.44.dev20260713+nightly
codegen_flags: <defaults>
</compile_context>

<pallas_src>
import functools

import jax
import jax.numpy as jnp
from jax import lax
from jax.experimental import pallas as pl
from jax.experimental.pallas import tpu as pltpu
from jax.experimental.pallas import tpu_sc as plsc

VOCAB = 256
EMBED_DIM = 128
BATCH = 16384

NC = 2
NS = 16
NW = NC * NS
B_PER_W = BATCH // NW
CHUNK = 64
N_CHUNKS = B_PER_W // CHUNK
NBUF = 6


def _build():
    mesh = plsc.VectorSubcoreMesh(
        core_axis_name="c", subcore_axis_name="s", num_cores=NC
    )

    @functools.partial(
        pl.kernel,
        mesh=mesh,
        out_type=jax.ShapeDtypeStruct((BATCH, EMBED_DIM), jnp.float32),
        scratch_types=[
            pltpu.VMEM((B_PER_W,), jnp.int32),
            pltpu.VMEM((NBUF, CHUNK, EMBED_DIM), jnp.float32),
            pltpu.VMEM_SHARED((VOCAB, EMBED_DIM), jnp.float32),
            pltpu.SemaphoreType.DMA((NBUF,)),
            pltpu.SemaphoreType.DMA((NBUF,)),
            pltpu.SemaphoreType.DMA,
            pltpu.SemaphoreType.DMA,
        ],
    )
    def gather_kernel(
        table_hbm, idx_hbm, out_hbm, idx_v, rows_v, table_sp, gsem, wsem,
        tsem, isem,
    ):
        cid = lax.axis_index("c")
        sid = lax.axis_index("s")
        wid = sid * NC + cid
        base = wid * B_PER_W

        rows_per_tile = VOCAB // NS
        trow = sid * rows_per_tile
        stage = pltpu.async_copy(
            table_hbm.at[pl.ds(trow, rows_per_tile)],
            table_sp.at[pl.ds(trow, rows_per_tile)],
            tsem,
        )
        iload = pltpu.async_copy(idx_hbm.at[pl.ds(base, B_PER_W)], idx_v, isem)
        stage.wait()
        iload.wait()
        plsc.subcore_barrier()

        gathers = [None] * N_CHUNKS
        writes = [None] * N_CHUNKS
        for j in range(N_CHUNKS + 1):
            if j < N_CHUNKS:
                s = j % NBUF
                if j >= NBUF:
                    writes[j - NBUF].wait()
                gathers[j] = pltpu.async_copy(
                    table_sp.at[idx_v.at[pl.ds(j * CHUNK, CHUNK)]],
                    rows_v.at[s],
                    gsem.at[s],
                )
            if j >= 1:
                jj = j - 1
                gathers[jj].wait()
                writes[jj] = pltpu.async_copy(
                    rows_v.at[jj % NBUF],
                    out_hbm.at[pl.ds(base + jj * CHUNK, CHUNK)],
                    wsem.at[jj % NBUF],
                )
        for w in writes[-NBUF:]:
            w.wait()

    return gather_kernel


@functools.cache
def _get_gather():
    return _build()


def kernel(input, table):
    idx = input.reshape(-1).astype(jnp.int32)
    return _get_gather()(table, idx)

# --- scband reference (transcript-rebuilt; emitter-appended) ---
"""Pipeline reference for scband-partial-fixed-embedding-1288490189325 (READ-ONLY COPY).

The authoritative reference and input builder live on the scoring server;
editing this copy changes nothing except your own understanding.
"""

import jax, jax.numpy as jnp
import numpy as np

VOCAB = 256
EMBED_DIM = 128
BATCH = 16384


def setup_inputs(seed: int = 0) -> dict:
    key = jax.random.key(seed)
    k_idx, k_tab = jax.random.split(key)
    # forward arg: indices into the per-index parameter dict
    input = jax.random.randint(k_idx, (BATCH,), 0, VOCAB)
    # learned parameters: in the torch module each index maps to a separate
    # nn.Parameter initialized with nn.init.uniform_(zeros(embedding_dim), -1, 1)
    # (all index_to_value values are None -> all learnable). Stacking them row-wise
    # gives an equivalent [VOCAB, EMBED_DIM] table.
    table = jax.random.uniform(k_tab, (VOCAB, EMBED_DIM), minval=-1.0, maxval=1.0, dtype=jnp.float32)
    return {"input": input, "table": table}


def reference(input, table):
    # forward: input.flatten(); torch.stack([self.embeddings[i.item()] for i in input])
    # == row-gather from the stacked parameter table.
    flat = input.flatten()
    out = jnp.take(table, flat, axis=0)
    return out

if __name__ == "__main__":
    import jax
    _d = setup_inputs()
    print(jax.jit(kernel)(*tuple(_d.values())))

</pallas_src>

<mosaic_0001>
#map = affine_map<(d0, d1) -> (0, 0)>
#map1 = affine_map<(d0, d1) -> (0)>
module attributes {stable_mosaic.version = 14 : i64} {
  func.func @gather_kernel(%arg0: i32, %arg1: i32, %arg2: memref<256x128xf32, #tpu.memory_space<hbm>>, %arg3: memref<16384xi32, #tpu.memory_space<hbm>>, %arg4: memref<16384x128xf32, #tpu.memory_space<hbm>>, %arg5: memref<512xi32, #tpu.memory_space<vmem>>, %arg6: memref<6x64x128xf32, #tpu.memory_space<vmem>>, %arg7: memref<256x128xf32, #tpu.memory_space<vmem_shared>>, %arg8: memref<6x!tpu.dma_semaphore, #tpu.memory_space<semaphore_mem>>, %arg9: memref<6x!tpu.dma_semaphore, #tpu.memory_space<semaphore_mem>>, %arg10: memref<!tpu.dma_semaphore, #tpu.memory_space<semaphore_mem>>, %arg11: memref<!tpu.dma_semaphore, #tpu.memory_space<semaphore_mem>>) attributes {dimension_semantics = [#tpu.dimension_semantics<core_parallel>, #tpu.dimension_semantics<subcore_parallel>], iteration_bounds = array<i64: 2, 16>, scalar_prefetch = 0 : i64, scratch_operands = 7 : i64, tpu.core_type = #tpu.core_type<sc_vector_subcore>, window_params = [{transform_indices = #map}, {transform_indices = #map1}, {transform_indices = #map}]} {
    %mul3A = arith.constant 2 : i32
    %mul3A_0 = arith.muli %arg1, %mul3A : i32
    %add3A = arith.addi %mul3A_0, %arg0 : i32
    %mul3A_1 = arith.constant 512 : i32
    %mul3A_2 = arith.muli %add3A, %mul3A_1 : i32
    %mul3A_3 = arith.constant 16 : i32
    %mul3A_4 = arith.muli %arg1, %mul3A_3 : i32
    %dma_start3A = arith.constant 0 : i32
    %dma_start3A_5 = tpu.memref_slice %arg7[%mul3A_4, %dma_start3A] : memref<256x128xf32, #tpu.memory_space<vmem_shared>> -> memref<16x128xf32, #tpu.memory_space<vmem_shared>>
    %dma_start3A_6 = arith.constant 0 : i32
    %dma_start3A_7 = tpu.memref_slice %arg2[%mul3A_4, %dma_start3A_6] : memref<256x128xf32, #tpu.memory_space<hbm>> -> memref<16x128xf32, #tpu.memory_space<hbm>>
    tpu.enqueue_dma source(%dma_start3A_7 : memref<16x128xf32, #tpu.memory_space<hbm>>) target(%dma_start3A_5 : memref<16x128xf32, #tpu.memory_space<vmem_shared>>) target_semaphore(%arg10 : memref<!tpu.dma_semaphore, #tpu.memory_space<semaphore_mem>>)
    %dma_start3A_8 = tpu.memref_slice %arg3[%mul3A_2] : memref<16384xi32, #tpu.memory_space<hbm>> -> memref<512xi32, #tpu.memory_space<hbm>>
    %dma_start3A_9 = tpu.memref_slice %arg3[%mul3A_2] : memref<16384xi32, #tpu.memory_space<hbm>> -> memref<512xi32, #tpu.memory_space<hbm>>
    tpu.enqueue_dma source(%dma_start3A_9 : memref<512xi32, #tpu.memory_space<hbm>>) target(%arg5 : memref<512xi32, #tpu.memory_space<vmem>>) target_semaphore(%arg11 : memref<!tpu.dma_semaphore, #tpu.memory_space<semaphore_mem>>)
    %dma_wait3A = arith.constant 0 : i32
    %dma_wait3A_10 = tpu.memref_slice %arg7[%mul3A_4, %dma_wait3A] : memref<256x128xf32, #tpu.memory_space<vmem_shared>> -> memref<16x128xf32, #tpu.memory_space<vmem_shared>>
    %dma_wait3A_11 = arith.constant 0 : i32
    %dma_wait3A_12 = tpu.memref_slice %arg2[%mul3A_4, %dma_wait3A_11] : memref<256x128xf32, #tpu.memory_space<hbm>> -> memref<16x128xf32, #tpu.memory_space<hbm>>
    tpu.wait_dma2 semaphore(%arg10 : memref<!tpu.dma_semaphore, #tpu.memory_space<semaphore_mem>>) src(%dma_wait3A_12 : memref<16x128xf32, #tpu.memory_space<hbm>>) dst(%dma_wait3A_10 : memref<16x128xf32, #tpu.memory_space<vmem_shared>>)
    %dma_wait3A_13 = tpu.memref_slice %arg3[%mul3A_2] : memref<16384xi32, #tpu.memory_space<hbm>> -> memref<512xi32, #tpu.memory_space<hbm>>
    %dma_wait3A_14 = tpu.memref_slice %arg3[%mul3A_2] : memref<16384xi32, #tpu.memory_space<hbm>> -> memref<512xi32, #tpu.memory_space<hbm>>
    tpu.wait_dma2 semaphore(%arg11 : memref<!tpu.dma_semaphore, #tpu.memory_space<semaphore_mem>>) src(%dma_wait3A_14 : memref<512xi32, #tpu.memory_space<hbm>>) dst(%arg5 : memref<512xi32, #tpu.memory_space<vmem>>)
    %barrier3A = arith.constant 0 : index
    tpu.barrier barrier_id(%barrier3A)
    %dma_start3A_15 = arith.constant 0 : i32
    %dma_start3A_16 = arith.constant 0 : i32
    %dma_start3A_17 = arith.constant 0 : i32
    %dma_start3A_18 = arith.constant 0 : i32
    %dma_start3A_19 = tpu.memref_slice %arg6[%dma_start3A_15, %dma_start3A_17, %dma_start3A_18] : memref<6x64x128xf32, #tpu.memory_space<vmem>> -> memref<1x64x128xf32, #tpu.memory_space<vmem>>
    %dma_start3A_20 = tpu.memref_squeeze %dma_start3A_19 : memref<1x64x128xf32, #tpu.memory_space<vmem>> -> memref<64x128xf32, #tpu.memory_space<vmem>>
    %dma_start3A_21 = arith.constant 0 : i32
    %dma_start3A_22 = tpu.memref_slice %arg5[%dma_start3A_21] : memref<512xi32, #tpu.memory_space<vmem>> -> memref<64xi32, #tpu.memory_space<vmem>>
    %dma_start3A_23 = arith.constant 0 : i32
    %dma_start3A_24 = arith.constant 0 : i32
    %dma_start3A_25 = tpu.memref_slice %arg7[%dma_start3A_23, %dma_start3A_24] : memref<256x128xf32, #tpu.memory_space<vmem_shared>> -> memref<256x128xf32, #tpu.memory_space<vmem_shared>>
    %dma_start3A_26 = tpu.memref_slice %arg8[%dma_start3A_16] : memref<6x!tpu.dma_semaphore, #tpu.memory_space<semaphore_mem>> -> memref<1x!tpu.dma_semaphore, #tpu.memory_space<semaphore_mem>>
    %dma_start3A_27 = tpu.memref_squeeze %dma_start3A_26 : memref<1x!tpu.dma_semaphore, #tpu.memory_space<semaphore_mem>> -> memref<!tpu.dma_semaphore, #tpu.memory_space<semaphore_mem>>
    tpu.enqueue_indirect_dma source(%dma_start3A_25 : memref<256x128xf32, #tpu.memory_space<vmem_shared>>) target(%dma_start3A_20 : memref<64x128xf32, #tpu.memory_space<vmem>>) offsets(%dma_start3A_22 : memref<64xi32, #tpu.memory_space<vmem>>) semaphore(%dma_start3A_27 : memref<!tpu.dma_semaphore, #tpu.memory_space<semaphore_mem>>)
    %dma_start3A_28 = arith.constant 1 : i32
    %dma_start3A_29 = arith.constant 1 : i32
    %dma_start3A_30 = arith.constant 0 : i32
    %dma_start3A_31 = arith.constant 0 : i32
    %dma_start3A_32 = tpu.memref_slice %arg6[%dma_start3A_28, %dma_start3A_30, %dma_start3A_31] : memref<6x64x128xf32, #tpu.memory_space<vmem>> -> memref<1x64x128xf32, #tpu.memory_space<vmem>>
    %dma_start3A_33 = tpu.memref_squeeze %dma_start3A_32 : memref<1x64x128xf32, #tpu.memory_space<vmem>> -> memref<64x128xf32, #tpu.memory_space<vmem>>
    %dma_start3A_34 = arith.constant 64 : i32
    %dma_start3A_35 = tpu.memref_slice %arg5[%dma_start3A_34] : memref<512xi32, #tpu.memory_space<vmem>> -> memref<64xi32, #tpu.memory_space<vmem>>
    %dma_start3A_36 = arith.constant 0 : i32
    %dma_start3A_37 = arith.constant 0 : i32
    %dma_start3A_38 = tpu.memref_slice %arg7[%dma_start3A_36, %dma_start3A_37] : memref<256x128xf32, #tpu.memory_space<vmem_shared>> -> memref<256x128xf32, #tpu.memory_space<vmem_shared>>
    %dma_start3A_39 = tpu.memref_slice %arg8[%dma_start3A_29] : memref<6x!tpu.dma_semaphore, #tpu.memory_space<semaphore_mem>> -> memref<1x!tpu.dma_semaphore, #tpu.memory_space<semaphore_mem>>
    %dma_start3A_40 = tpu.memref_squeeze %dma_start3A_39 : memref<1x!tpu.dma_semaphore, #tpu.memory_space<semaphore_mem>> -> memref<!tpu.dma_semaphore, #tpu.memory_space<semaphore_mem>>
    tpu.enqueue_indirect_dma source(%dma_start3A_38 : memref<256x128xf32, #tpu.memory_space<vmem_shared>>) target(%dma_start3A_33 : memref<64x128xf32, #tpu.memory_space<vmem>>) offsets(%dma_start3A_35 : memref<64xi32, #tpu.memory_space<vmem>>) semaphore(%dma_start3A_40 : memref<!tpu.dma_semaphore, #tpu.memory_space<semaphore_mem>>)
    %dma_wait3A_41 = arith.constant 0 : i32
    %dma_wait3A_42 = arith.constant 0 : i32
    %dma_wait3A_43 = arith.constant 0 : i32
    %dma_wait3A_44 = arith.constant 0 : i32
    %dma_wait3A_45 = tpu.memref_slice %arg6[%dma_wait3A_41, %dma_wait3A_43, %dma_wait3A_44] : memref<6x64x128xf32, #tpu.memory_space<vmem>> -> memref<1x64x128xf32, #tpu.memory_space<vmem>>
    %dma_wait3A_46 = tpu.memref_squeeze %dma_wait3A_45 : memref<1x64x128xf32, #tpu.memory_space<vmem>> -> memref<64x128xf32, #tpu.memory_space<vmem>>
    %dma_wait3A_47 = arith.constant 0 : i32
    %dma_wait3A_48 = tpu.memref_slice %arg5[%dma_wait3A_47] : memref<512xi32, #tpu.memory_space<vmem>> -> memref<64xi32, #tpu.memory_space<vmem>>
    %dma_wait3A_49 = arith.constant 0 : i32
    %dma_wait3A_50 = arith.constant 0 : i32
    %dma_wait3A_51 = tpu.memref_slice %arg7[%dma_wait3A_49, %dma_wait3A_50] : memref<256x128xf32, #tpu.memory_space<vmem_shared>> -> memref<256x128xf32, #tpu.memory_space<vmem_shared>>
    %dma_wait3A_52 = tpu.memref_slice %arg8[%dma_wait3A_42] : memref<6x!tpu.dma_semaphore, #tpu.memory_space<semaphore_mem>> -> memref<1x!tpu.dma_semaphore, #tpu.memory_space<semaphore_mem>>
    %dma_wait3A_53 = tpu.memref_squeeze %dma_wait3A_52 : memref<1x!tpu.dma_semaphore, #tpu.memory_space<semaphore_mem>> -> memref<!tpu.dma_semaphore, #tpu.memory_space<semaphore_mem>>
    tpu.wait_indirect_dma semaphore(%dma_wait3A_53 : memref<!tpu.dma_semaphore, #tpu.memory_space<semaphore_mem>>) src(%dma_wait3A_51 : memref<256x128xf32, #tpu.memory_space<vmem_shared>>) dst(%dma_wait3A_46 : memref<64x128xf32, #tpu.memory_space<vmem>>)
    %add3A_54 = arith.constant 0 : i32
    %add3A_55 = arith.addi %mul3A_2, %add3A_54 : i32
    %dma_start3A_56 = arith.constant 0 : i32
    %dma_start3A_57 = arith.constant 0 : i32
    %dma_start3A_58 = arith.constant 0 : i32
    %dma_start3A_59 = arith.constant 0 : i32
    %dma_start3A_60 = tpu.memref_slice %arg6[%dma_start3A_56, %dma_start3A_58, %dma_start3A_59] : memref<6x64x128xf32, #tpu.memory_space<vmem>> -> memref<1x64x128xf32, #tpu.memory_space<vmem>>
    %dma_start3A_61 = tpu.memref_squeeze %dma_start3A_60 : memref<1x64x128xf32, #tpu.memory_space<vmem>> -> memref<64x128xf32, #tpu.memory_space<vmem>>
    %dma_start3A_62 = arith.constant 0 : i32
    %dma_start3A_63 = tpu.memref_slice %arg4[%add3A_55, %dma_start3A_62] : memref<16384x128xf32, #tpu.memory_space<hbm>> -> memref<64x128xf32, #tpu.memory_space<hbm>>
    %dma_start3A_64 = tpu.memref_slice %arg9[%dma_start3A_57] : memref<6x!tpu.dma_semaphore, #tpu.memory_space<semaphore_mem>> -> memref<1x!tpu.dma_semaphore, #tpu.memory_space<semaphore_mem>>
    %dma_start3A_65 = tpu.memref_squeeze %dma_start3A_64 : memref<1x!tpu.dma_semaphore, #tpu.memory_space<semaphore_mem>> -> memref<!tpu.dma_semaphore, #tpu.memory_space<semaphore_mem>>
    %dma_start3A_66 = arith.constant 0 : i32
    %dma_start3A_67 = tpu.memref_slice %arg4[%add3A_55, %dma_start3A_66] : memref<16384x128xf32, #tpu.memory_space<hbm>> -> memref<64x128xf32, #tpu.memory_space<hbm>>
    %dma_start3A_68 = arith.constant 0 : i32
    %dma_start3A_69 = arith.constant 0 : i32
    %dma_start3A_70 = tpu.memref_slice %arg6[%dma_start3A_56, %dma_start3A_68, %dma_start3A_69] : memref<6x64x128xf32, #tpu.memory_space<vmem>> -> memref<1x64x128xf32, #tpu.memory_space<vmem>>
    %dma_start3A_71 = tpu.memref_squeeze %dma_start3A_70 : memref<1x64x128xf32, #tpu.memory_space<vmem>> -> memref<64x128xf32, #tpu.memory_space<vmem>>
    tpu.enqueue_dma source(%dma_start3A_71 : memref<64x128xf32, #tpu.memory_space<vmem>>) target(%dma_start3A_67 : memref<64x128xf32, #tpu.memory_space<hbm>>) target_semaphore(%dma_start3A_65 : memref<!tpu.dma_semaphore, #tpu.memory_space<semaphore_mem>>)
    %dma_start3A_72 = arith.constant 2 : i32
    %dma_start3A_73 = arith.constant 2 : i32
    %dma_start3A_74 = arith.constant 0 : i32
    %dma_start3A_75 = arith.constant 0 : i32
    %dma_start3A_76 = tpu.memref_slice %arg6[%dma_start3A_72, %dma_start3A_74, %dma_start3A_75] : memref<6x64x128xf32, #tpu.memory_space<vmem>> -> memref<1x64x128xf32, #tpu.memory_space<vmem>>
    %dma_start3A_77 = tpu.memref_squeeze %dma_start3A_76 : memref<1x64x128xf32, #tpu.memory_space<vmem>> -> memref<64x128xf32, #tpu.memory_space<vmem>>
    %dma_start3A_78 = arith.constant 128 : i32
    %dma_start3A_79 = tpu.memref_slice %arg5[%dma_start3A_78] : memref<512xi32, #tpu.memory_space<vmem>> -> memref<64xi32, #tpu.memory_space<vmem>>
    %dma_start3A_80 = arith.constant 0 : i32
    %dma_start3A_81 = arith.constant 0 : i32
    %dma_start3A_82 = tpu.memref_slice %arg7[%dma_start3A_80, %dma_start3A_81] : memref<256x128xf32, #tpu.memory_space<vmem_shared>> -> memref<256x128xf32, #tpu.memory_space<vmem_shared>>
    %dma_start3A_83 = tpu.memref_slice %arg8[%dma_start3A_73] : memref<6x!tpu.dma_semaphore, #tpu.memory_space<semaphore_mem>> -> memref<1x!tpu.dma_semaphore, #tpu.memory_space<semaphore_mem>>
    %dma_start3A_84 = tpu.memref_squeeze %dma_start3A_83 : memref<1x!tpu.dma_semaphore, #tpu.memory_space<semaphore_mem>> -> memref<!tpu.dma_semaphore, #tpu.memory_space<semaphore_mem>>
    tpu.enqueue_indirect_dma source(%dma_start3A_82 : memref<256x128xf32, #tpu.memory_space<vmem_shared>>) target(%dma_start3A_77 : memref<64x128xf32, #tpu.memory_space<vmem>>) offsets(%dma_start3A_79 : memref<64xi32, #tpu.memory_space<vmem>>) semaphore(%dma_start3A_84 : memref<!tpu.dma_semaphore, #tpu.memory_space<semaphore_mem>>)
    %dma_wait3A_85 = arith.constant 1 : i32
    %dma_wait3A_86 = arith.constant 1 : i32
    %dma_wait3A_87 = arith.constant 0 : i32
    %dma_wait3A_88 = arith.constant 0 : i32
    %dma_wait3A_89 = tpu.memref_slice %arg6[%dma_wait3A_85, %dma_wait3A_87, %dma_wait3A_88] : memref<6x64x128xf32, #tpu.memory_space<vmem>> -> memref<1x64x128xf32, #tpu.memory_space<vmem>>
    %dma_wait3A_90 = tpu.memref_squeeze %dma_wait3A_89 : memref<1x64x128xf32, #tpu.memory_space<vmem>> -> memref<64x128xf32, #tpu.memory_space<vmem>>
    %dma_wait3A_91 = arith.constant 64 : i32
    %dma_wait3A_92 = tpu.memref_slice %arg5[%dma_wait3A_91] : memref<512xi32, #tpu.memory_space<vmem>> -> memref<64xi32, #tpu.memory_space<vmem>>
    %dma_wait3A_93 = arith.constant 0 : i32
    %dma_wait3A_94 = arith.constant 0 : i32
    %dma_wait3A_95 = tpu.memref_slice %arg7[%dma_wait3A_93, %dma_wait3A_94] : memref<256x128xf32, #tpu.memory_space<vmem_shared>> -> memref<256x128xf32, #tpu.memory_space<vmem_shared>>
    %dma_wait3A_96 = tpu.memref_slice %arg8[%dma_wait3A_86] : memref<6x!tpu.dma_semaphore, #tpu.memory_space<semaphore_mem>> -> memref<1x!tpu.dma_semaphore, #tpu.memory_space<semaphore_mem>>
    %dma_wait3A_97 = tpu.memref_squeeze %dma_wait3A_96 : memref<1x!tpu.dma_semaphore, #tpu.memory_space<semaphore_mem>> -> memref<!tpu.dma_semaphore, #tpu.memory_space<semaphore_mem>>
    tpu.wait_indirect_dma semaphore(%dma_wait3A_97 : memref<!tpu.dma_semaphore, #tpu.memory_space<semaphore_mem>>) src(%dma_wait3A_95 : memref<256x128xf32, #tpu.memory_space<vmem_shared>>) dst(%dma_wait3A_90 : memref<64x128xf32, #tpu.memory_space<vmem>>)
    %add3A_98 = arith.constant 64 : i32
    %add3A_99 = arith.addi %mul3A_2, %add3A_98 : i32
    %dma_start3A_100 = arith.constant 1 : i32
    %dma_start3A_101 = arith.constant 1 : i32
    %dma_start3A_102 = arith.constant 0 : i32
    %dma_start3A_103 = arith.constant 0 : i32
    %dma_start3A_104 = tpu.memref_slice %arg6[%dma_start3A_100, %dma_start3A_102, %dma_start3A_103] : memref<6x64x128xf32, #tpu.memory_space<vmem>> -> memref<1x64x128xf32, #tpu.memory_space<vmem>>
    %dma_start3A_105 = tpu.memref_squeeze %dma_start3A_104 : memref<1x64x128xf32, #tpu.memory_space<vmem>> -> memref<64x128xf32, #tpu.memory_space<vmem>>
    %dma_start3A_106 = arith.constant 0 : i32
    %dma_start3A_107 = tpu.memref_slice %arg4[%add3A_99, %dma_start3A_106] : memref<16384x128xf32, #tpu.memory_space<hbm>> -> memref<64x128xf32, #tpu.memory_space<hbm>>
    %dma_start3A_108 = tpu.memref_slice %arg9[%dma_start3A_101] : memref<6x!tpu.dma_semaphore, #tpu.memory_space<semaphore_mem>> -> memref<1x!tpu.dma_semaphore, #tpu.memory_space<semaphore_mem>>
    %dma_start3A_109 = tpu.memref_squeeze %dma_start3A_108 : memref<1x!tpu.dma_semaphore, #tpu.memory_space<semaphore_mem>> -> memref<!tpu.dma_semaphore, #tpu.memory_space<semaphore_mem>>
    %dma_start3A_110 = arith.constant 0 : i32
    %dma_start3A_111 = tpu.memref_slice %arg4[%add3A_99, %dma_start3A_110] : memref<16384x128xf32, #tpu.memory_space<hbm>> -> memref<64x128xf32, #tpu.memory_space<hbm>>
    %dma_start3A_112 = arith.constant 0 : i32
    %dma_start3A_113 = arith.constant 0 : i32
    %dma_start3A_114 = tpu.memref_slice %arg6[%dma_start3A_100, %dma_start3A_112, %dma_start3A_113] : memref<6x64x128xf32, #tpu.memory_space<vmem>> -> memref<1x64x128xf32, #tpu.memory_space<vmem>>
    %dma_start3A_115 = tpu.memref_squeeze %dma_start3A_114 : memref<1x64x128xf32, #tpu.memory_space<vmem>> -> memref<64x128xf32, #tpu.memory_space<vmem>>
    tpu.enqueue_dma source(%dma_start3A_115 : memref<64x128xf32, #tpu.memory_space<vmem>>) target(%dma_start3A_111 : memref<64x128xf32, #tpu.memory_space<hbm>>) target_semaphore(%dma_start3A_109 : memref<!tpu.dma_semaphore, #tpu.memory_space<semaphore_mem>>)
    %dma_start3A_116 = arith.constant 3 : i32
    %dma_start3A_117 = arith.constant 3 : i32
    %dma_start3A_118 = arith.constant 0 : i32
    %dma_start3A_119 = arith.constant 0 : i32
    %dma_start3A_120 = tpu.memref_slice %arg6[%dma_start3A_116, %dma_start3A_118, %dma_start3A_119] : memref<6x64x128xf32, #tpu.memory_space<vmem>> -> memref<1x64x128xf32, #tpu.memory_space<vmem>>
    %dma_start3A_121 = tpu.memref_squeeze %dma_start3A_120 : memref<1x64x128xf32, #tpu.memory_space<vmem>> -> memref<64x128xf32, #tpu.memory_space<vmem>>
    %dma_start3A_122 = arith.constant 192 : i32
    %dma_start3A_123 = tpu.memref_slice %arg5[%dma_start3A_122] : memref<512xi32, #tpu.memory_space<vmem>> -> memref<64xi32, #tpu.memory_space<vmem>>
    %dma_start3A_124 = arith.constant 0 : i32
    %dma_start3A_125 = arith.constant 0 : i32
    %dma_start3A_126 = tpu.memref_slice %arg7[%dma_start3A_124, %dma_start3A_125] : memref<256x128xf32, #tpu.memory_space<vmem_shared>> -> memref<256x128xf32, #tpu.memory_space<vmem_shared>>
    %dma_start3A_127 = tpu.memref_slice %arg8[%dma_start3A_117] : memref<6x!tpu.dma_semaphore, #tpu.memory_space<semaphore_mem>> -> memref<1x!tpu.dma_semaphore, #tpu.memory_space<semaphore_mem>>
    %dma_start3A_128 = tpu.memref_squeeze %dma_start3A_127 : memref<1x!tpu.dma_semaphore, #tpu.memory_space<semaphore_mem>> -> memref<!tpu.dma_semaphore, #tpu.memory_space<semaphore_mem>>
    tpu.enqueue_indirect_dma source(%dma_start3A_126 : memref<256x128xf32, #tpu.memory_space<vmem_shared>>) target(%dma_start3A_121 : memref<64x128xf32, #tpu.memory_space<vmem>>) offsets(%dma_start3A_123 : memref<64xi32, #tpu.memory_space<vmem>>) semaphore(%dma_start3A_128 : memref<!tpu.dma_semaphore, #tpu.memory_space<semaphore_mem>>)
    %dma_wait3A_129 = arith.constant 2 : i32
    %dma_wait3A_130 = arith.constant 2 : i32
    %dma_wait3A_131 = arith.constant 0 : i32
    %dma_wait3A_132 = arith.constant 0 : i32
    %dma_wait3A_133 = tpu.memref_slice %arg6[%dma_wait3A_129, %dma_wait3A_131, %dma_wait3A_132] : memref<6x64x128xf32, #tpu.memory_space<vmem>> -> memref<1x64x128xf32, #tpu.memory_space<vmem>>
    %dma_wait3A_134 = tpu.memref_squeeze %dma_wait3A_133 : memref<1x64x128xf32, #tpu.memory_space<vmem>> -> memref<64x128xf32, #tpu.memory_space<vmem>>
    %dma_wait3A_135 = arith.constant 128 : i32
    %dma_wait3A_136 = tpu.memref_slice %arg5[%dma_wait3A_135] : memref<512xi32, #tpu.memory_space<vmem>> -> memref<64xi32, #tpu.memory_space<vmem>>
    %dma_wait3A_137 = arith.constant 0 : i32
    %dma_wait3A_138 = arith.constant 0 : i32
    %dma_wait3A_139 = tpu.memref_slice %arg7[%dma_wait3A_137, %dma_wait3A_138] : memref<256x128xf32, #tpu.memory_space<vmem_shared>> -> memref<256x128xf32, #tpu.memory_space<vmem_shared>>
    %dma_wait3A_140 = tpu.memref_slice %arg8[%dma_wait3A_130] : memref<6x!tpu.dma_semaphore, #tpu.memory_space<semaphore_mem>> -> memref<1x!tpu.dma_semaphore, #tpu.memory_space<semaphore_mem>>
    %dma_wait3A_141 = tpu.memref_squeeze %dma_wait3A_140 : memref<1x!tpu.dma_semaphore, #tpu.memory_space<semaphore_mem>> -> memref<!tpu.dma_semaphore, #tpu.memory_space<semaphore_mem>>
    tpu.wait_indirect_dma semaphore(%dma_wait3A_141 : memref<!tpu.dma_semaphore, #tpu.memory_space<semaphore_mem>>) src(%dma_wait3A_139 : memref<256x128xf32, #tpu.memory_space<vmem_shared>>) dst(%dma_wait3A_134 : memref<64x128xf32, #tpu.memory_space<vmem>>)
    %add3A_142 = arith.constant 128 : i32
    %add3A_143 = arith.addi %mul3A_2, %add3A_142 : i32
    %dma_start3A_144 = arith.constant 2 : i32
    %dma_start3A_145 = arith.constant 2 : i32
    %dma_start3A_146 = arith.constant 0 : i32
    %dma_start3A_147 = arith.constant 0 : i32
    %dma_start3A_148 = tpu.memref_slice %arg6[%dma_start3A_144, %dma_start3A_146, %dma_start3A_147] : memref<6x64x128xf32, #tpu.memory_space<vmem>> -> memref<1x64x128xf32, #tpu.memory_space<vmem>>
    %dma_start3A_149 = tpu.memref_squeeze %dma_start3A_148 : memref<1x64x128xf32, #tpu.memory_space<vmem>> -> memref<64x128xf32, #tpu.memory_space<vmem>>
    %dma_start3A_150 = arith.constant 0 : i32
    %dma_start3A_151 = tpu.memref_slice %arg4[%add3A_143, %dma_start3A_150] : memref<16384x128xf32, #tpu.memory_space<hbm>> -> memref<64x128xf32, #tpu.memory_space<hbm>>
    %dma_start3A_152 = tpu.memref_slice %arg9[%dma_start3A_145] : memref<6x!tpu.dma_semaphore, #tpu.memory_space<semaphore_mem>> -> memref<1x!tpu.dma_semaphore, #tpu.memory_space<semaphore_mem>>
    %dma_start3A_153 = tpu.memref_squeeze %dma_start3A_152 : memref<1x!tpu.dma_semaphore, #tpu.memory_space<semaphore_mem>> -> memref<!tpu.dma_semaphore, #tpu.memory_space<semaphore_mem>>
    %dma_start3A_154 = arith.constant 0 : i32
    %dma_start3A_155 = tpu.memref_slice %arg4[%add3A_143, %dma_start3A_154] : memref<16384x128xf32, #tpu.memory_space<hbm>> -> memref<64x128xf32, #tpu.memory_space<hbm>>
    %dma_start3A_156 = arith.constant 0 : i32
    %dma_start3A_157 = arith.constant 0 : i32
    %dma_start3A_158 = tpu.memref_slice %arg6[%dma_start3A_144, %dma_start3A_156, %dma_start3A_157] : memref<6x64x128xf32, #tpu.memory_space<vmem>> -> memref<1x64x128xf32, #tpu.memory_space<vmem>>
    %dma_start3A_159 = tpu.memref_squeeze %dma_start3A_158 : memref<1x64x128xf32, #tpu.memory_space<vmem>> -> memref<64x128xf32, #tpu.memory_space<vmem>>
    tpu.enqueue_dma source(%dma_start3A_159 : memref<64x128xf32, #tpu.memory_space<vmem>>) target(%dma_start3A_155 : memref<64x128xf32, #tpu.memory_space<hbm>>) target_semaphore(%dma_start3A_153 : memref<!tpu.dma_semaphore, #tpu.memory_space<semaphore_mem>>)
    %dma_start3A_160 = arith.constant 4 : i32
    %dma_start3A_161 = arith.constant 4 : i32
    %dma_start3A_162 = arith.constant 0 : i32
    %dma_start3A_163 = arith.constant 0 : i32
    %dma_start3A_164 = tpu.memref_slice %arg6[%dma_start3A_160, %dma_start3A_162, %dma_start3A_163] : memref<6x64x128xf32, #tpu.memory_space<vmem>> -> memref<1x64x128xf32, #tpu.memory_space<vmem>>
    %dma_start3A_165 = tpu.memref_squeeze %dma_start3A_164 : memref<1x64x128xf32, #tpu.memory_space<vmem>> -> memref<64x128xf32, #tpu.memory_space<vmem>>
    %dma_start3A_166 = arith.constant 256 : i32
    %dma_start3A_167 = tpu.memref_slice %arg5[%dma_start3A_166] : memref<512xi32, #tpu.memory_space<vmem>> -> memref<64xi32, #tpu.memory_space<vmem>>
    %dma_start3A_168 = arith.constant 0 : i32
    %dma_start3A_169 = arith.constant 0 : i32
    %dma_start3A_170 = tpu.memref_slice %arg7[%dma_start3A_168, %dma_start3A_169] : memref<256x128xf32, #tpu.memory_space<vmem_shared>> -> memref<256x128xf32, #tpu.memory_space<vmem_shared>>
    %dma_start3A_171 = tpu.memref_slice %arg8[%dma_start3A_161] : memref<6x!tpu.dma_semaphore, #tpu.memory_space<semaphore_mem>> -> memref<1x!tpu.dma_semaphore, #tpu.memory_space<semaphore_mem>>
    %dma_start3A_172 = tpu.memref_squeeze %dma_start3A_171 : memref<1x!tpu.dma_semaphore, #tpu.memory_space<semaphore_mem>> -> memref<!tpu.dma_semaphore, #tpu.memory_space<semaphore_mem>>
    tpu.enqueue_indirect_dma source(%dma_start3A_170 : memref<256x128xf32, #tpu.memory_space<vmem_shared>>) target(%dma_start3A_165 : memref<64x128xf32, #tpu.memory_space<vmem>>) offsets(%dma_start3A_167 : memref<64xi32, #tpu.memory_space<vmem>>) semaphore(%dma_start3A_172 : memref<!tpu.dma_semaphore, #tpu.memory_space<semaphore_mem>>)
    %dma_wait3A_173 = arith.constant 3 : i32
    %dma_wait3A_174 = arith.constant 3 : i32
    %dma_wait3A_175 = arith.constant 0 : i32
    %dma_wait3A_176 = arith.constant 0 : i32
    %dma_wait3A_177 = tpu.memref_slice %arg6[%dma_wait3A_173, %dma_wait3A_175, %dma_wait3A_176] : memref<6x64x128xf32, #tpu.memory_space<vmem>> -> memref<1x64x128xf32, #tpu.memory_space<vmem>>
    %dma_wait3A_178 = tpu.memref_squeeze %dma_wait3A_177 : memref<1x64x128xf32, #tpu.memory_space<vmem>> -> memref<64x128xf32, #tpu.memory_space<vmem>>
    %dma_wait3A_179 = arith.constant 192 : i32
    %dma_wait3A_180 = tpu.memref_slice %arg5[%dma_wait3A_179] : memref<512xi32, #tpu.memory_space<vmem>> -> memref<64xi32, #tpu.memory_space<vmem>>
    %dma_wait3A_181 = arith.constant 0 : i32
    %dma_wait3A_182 = arith.constant 0 : i32
    %dma_wait3A_183 = tpu.memref_slice %arg7[%dma_wait3A_181, %dma_wait3A_182] : memref<256x128xf32, #tpu.memory_space<vmem_shared>> -> memref<256x128xf32, #tpu.memory_space<vmem_shared>>
    %dma_wait3A_184 = tpu.memref_slice %arg8[%dma_wait3A_174] : memref<6x!tpu.dma_semaphore, #tpu.memory_space<semaphore_mem>> -> memref<1x!tpu.dma_semaphore, #tpu.memory_space<semaphore_mem>>
    %dma_wait3A_185 = tpu.memref_squeeze %dma_wait3A_184 : memref<1x!tpu.dma_semaphore, #tpu.memory_space<semaphore_mem>> -> memref<!tpu.dma_semaphore, #tpu.memory_space<semaphore_mem>>
    tpu.wait_indirect_dma semaphore(%dma_wait3A_185 : memref<!tpu.dma_semaphore, #tpu.memory_space<semaphore_mem>>) src(%dma_wait3A_183 : memref<256x128xf32, #tpu.memory_space<vmem_shared>>) dst(%dma_wait3A_178 : memref<64x128xf32, #tpu.memory_space<vmem>>)
    %add3A_186 = arith.constant 192 : i32
    %add3A_187 = arith.addi %mul3A_2, %add3A_186 : i32
    %dma_start3A_188 = arith.constant 3 : i32
    %dma_start3A_189 = arith.constant 3 : i32
    %dma_start3A_190 = arith.constant 0 : i32
    %dma_start3A_191 = arith.constant 0 : i32
    %dma_start3A_192 = tpu.memref_slice %arg6[%dma_start3A_188, %dma_start3A_190, %dma_start3A_191] : memref<6x64x128xf32, #tpu.memory_space<vmem>> -> memref<1x64x128xf32, #tpu.memory_space<vmem>>
    %dma_start3A_193 = tpu.memref_squeeze %dma_start3A_192 : memref<1x64x128xf32, #tpu.memory_space<vmem>> -> memref<64x128xf32, #tpu.memory_space<vmem>>
    %dma_start3A_194 = arith.constant 0 : i32
    %dma_start3A_195 = tpu.memref_slice %arg4[%add3A_187, %dma_start3A_194] : memref<16384x128xf32, #tpu.memory_space<hbm>> -> memref<64x128xf32, #tpu.memory_space<hbm>>
    %dma_start3A_196 = tpu.memref_slice %arg9[%dma_start3A_189] : memref<6x!tpu.dma_semaphore, #tpu.memory_space<semaphore_mem>> -> memref<1x!tpu.dma_semaphore, #tpu.memory_space<semaphore_mem>>
    %dma_start3A_197 = tpu.memref_squeeze %dma_start3A_196 : memref<1x!tpu.dma_semaphore, #tpu.memory_space<semaphore_mem>> -> memref<!tpu.dma_semaphore, #tpu.memory_space<semaphore_mem>>
    %dma_start3A_198 = arith.constant 0 : i32
    %dma_start3A_199 = tpu.memref_slice %arg4[%add3A_187, %dma_start3A_198] : memref<16384x128xf32, #tpu.memory_space<hbm>> -> memref<64x128xf32, #tpu.memory_space<hbm>>
    %dma_start3A_200 = arith.constant 0 : i32
    %dma_start3A_201 = arith.constant 0 : i32
    %dma_start3A_202 = tpu.memref_slice %arg6[%dma_start3A_188, %dma_start3A_200, %dma_start3A_201] : memref<6x64x128xf32, #tpu.memory_space<vmem>> -> memref<1x64x128xf32, #tpu.memory_space<vmem>>
    %dma_start3A_203 = tpu.memref_squeeze %dma_start3A_202 : memref<1x64x128xf32, #tpu.memory_space<vmem>> -> memref<64x128xf32, #tpu.memory_space<vmem>>
    tpu.enqueue_dma source(%dma_start3A_203 : memref<64x128xf32, #tpu.memory_space<vmem>>) target(%dma_start3A_199 : memref<64x128xf32, #tpu.memory_space<hbm>>) target_semaphore(%dma_start3A_197 : memref<!tpu.dma_semaphore, #tpu.memory_space<semaphore_mem>>)
    %dma_start3A_204 = arith.constant 5 : i32
    %dma_start3A_205 = arith.constant 5 : i32
    %dma_start3A_206 = arith.constant 0 : i32
    %dma_start3A_207 = arith.constant 0 : i32
    %dma_start3A_208 = tpu.memref_slice %arg6[%dma_start3A_204, %dma_start3A_206, %dma_start3A_207] : memref<6x64x128xf32, #tpu.memory_space<vmem>> -> memref<1x64x128xf32, #tpu.memory_space<vmem>>
    %dma_start3A_209 = tpu.memref_squeeze %dma_start3A_208 : memref<1x64x128xf32, #tpu.memory_space<vmem>> -> memref<64x128xf32, #tpu.memory_space<vmem>>
    %dma_start3A_210 = arith.constant 320 : i32
    %dma_start3A_211 = tpu.memref_slice %arg5[%dma_start3A_210] : memref<512xi32, #tpu.memory_space<vmem>> -> memref<64xi32, #tpu.memory_space<vmem>>
    %dma_start3A_212 = arith.constant 0 : i32
    %dma_start3A_213 = arith.constant 0 : i32
    %dma_start3A_214 = tpu.memref_slice %arg7[%dma_start3A_212, %dma_start3A_213] : memref<256x128xf32, #tpu.memory_space<vmem_shared>> -> memref<256x128xf32, #tpu.memory_space<vmem_shared>>
    %dma_start3A_215 = tpu.memref_slice %arg8[%dma_start3A_205] : memref<6x!tpu.dma_semaphore, #tpu.memory_space<semaphore_mem>> -> memref<1x!tpu.dma_semaphore, #tpu.memory_space<semaphore_mem>>
    %dma_start3A_216 = tpu.memref_squeeze %dma_start3A_215 : memref<1x!tpu.dma_semaphore, #tpu.memory_space<semaphore_mem>> -> memref<!tpu.dma_semaphore, #tpu.memory_space<semaphore_mem>>
    tpu.enqueue_indirect_dma source(%dma_start3A_214 : memref<256x128xf32, #tpu.memory_space<vmem_shared>>) target(%dma_start3A_209 : memref<64x128xf32, #tpu.memory_space<vmem>>) offsets(%dma_start3A_211 : memref<64xi32, #tpu.memory_space<vmem>>) semaphore(%dma_start3A_216 : memref<!tpu.dma_semaphore, #tpu.memory_space<semaphore_mem>>)
    %dma_wait3A_217 = arith.constant 4 : i32
    %dma_wait3A_218 = arith.constant 4 : i32
    %dma_wait3A_219 = arith.constant 0 : i32
    %dma_wait3A_220 = arith.constant 0 : i32
    %dma_wait3A_221 = tpu.memref_slice %arg6[%dma_wait3A_217, %dma_wait3A_219, %dma_wait3A_220] : memref<6x64x128xf32, #tpu.memory_space<vmem>> -> memref<1x64x128xf32, #tpu.memory_space<vmem>>
    %dma_wait3A_222 = tpu.memref_squeeze %dma_wait3A_221 : memref<1x64x128xf32, #tpu.memory_space<vmem>> -> memref<64x128xf32, #tpu.memory_space<vmem>>
    %dma_wait3A_223 = arith.constant 256 : i32
    %dma_wait3A_224 = tpu.memref_slice %arg5[%dma_wait3A_223] : memref<512xi32, #tpu.memory_space<vmem>> -> memref<64xi32, #tpu.memory_space<vmem>>
    %dma_wait3A_225 = arith.constant 0 : i32
    %dma_wait3A_226 = arith.constant 0 : i32
    %dma_wait3A_227 = tpu.memref_slice %arg7[%dma_wait3A_225, %dma_wait3A_226] : memref<256x128xf32, #tpu.memory_space<vmem_shared>> -> memref<256x128xf32, #tpu.memory_space<vmem_shared>>
    %dma_wait3A_228 = tpu.memref_slice %arg8[%dma_wait3A_218] : memref<6x!tpu.dma_semaphore, #tpu.memory_space<semaphore_mem>> -> memref<1x!tpu.dma_semaphore, #tpu.memory_space<semaphore_mem>>
    %dma_wait3A_229 = tpu.memref_squeeze %dma_wait3A_228 : memref<1x!tpu.dma_semaphore, #tpu.memory_space<semaphore_mem>> -> memref<!tpu.dma_semaphore, #tpu.memory_space<semaphore_mem>>
    tpu.wait_indirect_dma semaphore(%dma_wait3A_229 : memref<!tpu.dma_semaphore, #tpu.memory_space<semaphore_mem>>) src(%dma_wait3A_227 : memref<256x128xf32, #tpu.memory_space<vmem_shared>>) dst(%dma_wait3A_222 : memref<64x128xf32, #tpu.memory_space<vmem>>)
    %add3A_230 = arith.constant 256 : i32
    %add3A_231 = arith.addi %mul3A_2, %add3A_230 : i32
    %dma_start3A_232 = arith.constant 4 : i32
    %dma_start3A_233 = arith.constant 4 : i32
    %dma_start3A_234 = arith.constant 0 : i32
    %dma_start3A_235 = arith.constant 0 : i32
    %dma_start3A_236 = tpu.memref_slice %arg6[%dma_start3A_232, %dma_start3A_234, %dma_start3A_235] : memref<6x64x128xf32, #tpu.memory_space<vmem>> -> memref<1x64x128xf32, #tpu.memory_space<vmem>>
    %dma_start3A_237 = tpu.memref_squeeze %dma_start3A_236 : memref<1x64x128xf32, #tpu.memory_space<vmem>> -> memref<64x128xf32, #tpu.memory_space<vmem>>
    %dma_start3A_238 = arith.constant 0 : i32
    %dma_start3A_239 = tpu.memref_slice %arg4[%add3A_231, %dma_start3A_238] : memref<16384x128xf32, #tpu.memory_space<hbm>> -> memref<64x128xf32, #tpu.memory_space<hbm>>
    %dma_start3A_240 = tpu.memref_slice %arg9[%dma_start3A_233] : memref<6x!tpu.dma_semaphore, #tpu.memory_space<semaphore_mem>> -> memref<1x!tpu.dma_semaphore, #tpu.memory_space<semaphore_mem>>
    %dma_start3A_241 = tpu.memref_squeeze %dma_start3A_240 : memref<1x!tpu.dma_semaphore, #tpu.memory_space<semaphore_mem>> -> memref<!tpu.dma_semaphore, #tpu.memory_space<semaphore_mem>>
    %dma_start3A_242 = arith.constant 0 : i32
    %dma_start3A_243 = tpu.memref_slice %arg4[%add3A_231, %dma_start3A_242] : memref<16384x128xf32, #tpu.memory_space<hbm>> -> memref<64x128xf32, #tpu.memory_space<hbm>>
    %dma_start3A_244 = arith.constant 0 : i32
    %dma_start3A_245 = arith.constant 0 : i32
    %dma_start3A_246 = tpu.memref_slice %arg6[%dma_start3A_232, %dma_start3A_244, %dma_start3A_245] : memref<6x64x128xf32, #tpu.memory_space<vmem>> -> memref<1x64x128xf32, #tpu.memory_space<vmem>>
    %dma_start3A_247 = tpu.memref_squeeze %dma_start3A_246 : memref<1x64x128xf32, #tpu.memory_space<vmem>> -> memref<64x128xf32, #tpu.memory_space<vmem>>
    tpu.enqueue_dma source(%dma_start3A_247 : memref<64x128xf32, #tpu.memory_space<vmem>>) target(%dma_start3A_243 : memref<64x128xf32, #tpu.memory_space<hbm>>) target_semaphore(%dma_start3A_241 : memref<!tpu.dma_semaphore, #tpu.memory_space<semaphore_mem>>)
    %dma_wait3A_248 = arith.constant 0 : i32
    %dma_wait3A_249 = arith.constant 0 : i32
    %dma_wait3A_250 = arith.constant 0 : i32
    %dma_wait3A_251 = arith.constant 0 : i32
    %dma_wait3A_252 = tpu.memref_slice %arg6[%dma_wait3A_248, %dma_wait3A_250, %dma_wait3A_251] : memref<6x64x128xf32, #tpu.memory_space<vmem>> -> memref<1x64x128xf32, #tpu.memory_space<vmem>>
    %dma_wait3A_253 = tpu.memref_squeeze %dma_wait3A_252 : memref<1x64x128xf32, #tpu.memory_space<vmem>> -> memref<64x128xf32, #tpu.memory_space<vmem>>
    %dma_wait3A_254 = arith.constant 0 : i32
    %dma_wait3A_255 = tpu.memref_slice %arg4[%add3A_55, %dma_wait3A_254] : memref<16384x128xf32, #tpu.memory_space<hbm>> -> memref<64x128xf32, #tpu.memory_space<hbm>>
    %dma_wait3A_256 = tpu.memref_slice %arg9[%dma_wait3A_249] : memref<6x!tpu.dma_semaphore, #tpu.memory_space<semaphore_mem>> -> memref<1x!tpu.dma_semaphore, #tpu.memory_space<semaphore_mem>>
    %dma_wait3A_257 = tpu.memref_squeeze %dma_wait3A_256 : memref<1x!tpu.dma_semaphore, #tpu.memory_space<semaphore_mem>> -> memref<!tpu.dma_semaphore, #tpu.memory_space<semaphore_mem>>
    %dma_wait3A_258 = arith.constant 0 : i32
    %dma_wait3A_259 = tpu.memref_slice %arg4[%add3A_55, %dma_wait3A_258] : memref<16384x128xf32, #tpu.memory_space<hbm>> -> memref<64x128xf32, #tpu.memory_space<hbm>>
    %dma_wait3A_260 = arith.constant 0 : i32
    %dma_wait3A_261 = arith.constant 0 : i32
    %dma_wait3A_262 = tpu.memref_slice %arg6[%dma_wait3A_248, %dma_wait3A_260, %dma_wait3A_261] : memref<6x64x128xf32, #tpu.memory_space<vmem>> -> memref<1x64x128xf32, #tpu.memory_space<vmem>>
    %dma_wait3A_263 = tpu.memref_squeeze %dma_wait3A_262 : memref<1x64x128xf32, #tpu.memory_space<vmem>> -> memref<64x128xf32, #tpu.memory_space<vmem>>
    tpu.wait_dma2 semaphore(%dma_wait3A_257 : memref<!tpu.dma_semaphore, #tpu.memory_space<semaphore_mem>>) src(%dma_wait3A_263 : memref<64x128xf32, #tpu.memory_space<vmem>>) dst(%dma_wait3A_259 : memref<64x128xf32, #tpu.memory_space<hbm>>)
    %dma_start3A_264 = arith.constant 0 : i32
    %dma_start3A_265 = arith.constant 0 : i32
    %dma_start3A_266 = arith.constant 0 : i32
    %dma_start3A_267 = arith.constant 0 : i32
    %dma_start3A_268 = tpu.memref_slice %arg6[%dma_start3A_264, %dma_start3A_266, %dma_start3A_267] : memref<6x64x128xf32, #tpu.memory_space<vmem>> -> memref<1x64x128xf32, #tpu.memory_space<vmem>>
    %dma_start3A_269 = tpu.memref_squeeze %dma_start3A_268 : memref<1x64x128xf32, #tpu.memory_space<vmem>> -> memref<64x128xf32, #tpu.memory_space<vmem>>
    %dma_start3A_270 = arith.constant 384 : i32
    %dma_start3A_271 = tpu.memref_slice %arg5[%dma_start3A_270] : memref<512xi32, #tpu.memory_space<vmem>> -> memref<64xi32, #tpu.memory_space<vmem>>
    %dma_start3A_272 = arith.constant 0 : i32
    %dma_start3A_273 = arith.constant 0 : i32
    %dma_start3A_274 = tpu.memref_slice %arg7[%dma_start3A_272, %dma_start3A_273] : memref<256x128xf32, #tpu.memory_space<vmem_shared>> -> memref<256x128xf32, #tpu.memory_space<vmem_shared>>
    %dma_start3A_275 = tpu.memref_slice %arg8[%dma_start3A_265] : memref<6x!tpu.dma_semaphore, #tpu.memory_space<semaphore_mem>> -> memref<1x!tpu.dma_semaphore, #tpu.memory_space<semaphore_mem>>
    %dma_start3A_276 = tpu.memref_squeeze %dma_start3A_275 : memref<1x!tpu.dma_semaphore, #tpu.memory_space<semaphore_mem>> -> memref<!tpu.dma_semaphore, #tpu.memory_space<semaphore_mem>>
    tpu.enqueue_indirect_dma source(%dma_start3A_274 : memref<256x128xf32, #tpu.memory_space<vmem_shared>>) target(%dma_start3A_269 : memref<64x128xf32, #tpu.memory_space<vmem>>) offsets(%dma_start3A_271 : memref<64xi32, #tpu.memory_space<vmem>>) semaphore(%dma_start3A_276 : memref<!tpu.dma_semaphore, #tpu.memory_space<semaphore_mem>>)
    %dma_wait3A_277 = arith.constant 5 : i32
    %dma_wait3A_278 = arith.constant 5 : i32
    %dma_wait3A_279 = arith.constant 0 : i32
    %dma_wait3A_280 = arith.constant 0 : i32
    %dma_wait3A_281 = tpu.memref_slice %arg6[%dma_wait3A_277, %dma_wait3A_279, %dma_wait3A_280] : memref<6x64x128xf32, #tpu.memory_space<vmem>> -> memref<1x64x128xf32, #tpu.memory_space<vmem>>
    %dma_wait3A_282 = tpu.memref_squeeze %dma_wait3A_281 : memref<1x64x128xf32, #tpu.memory_space<vmem>> -> memref<64x128xf32, #tpu.memory_space<vmem>>
    %dma_wait3A_283 = arith.constant 320 : i32
    %dma_wait3A_284 = tpu.memref_slice %arg5[%dma_wait3A_283] : memref<512xi32, #tpu.memory_space<vmem>> -> memref<64xi32, #tpu.memory_space<vmem>>
    %dma_wait3A_285 = arith.constant 0 : i32
    %dma_wait3A_286 = arith.constant 0 : i32
    %dma_wait3A_287 = tpu.memref_slice %arg7[%dma_wait3A_285, %dma_wait3A_286] : memref<256x128xf32, #tpu.memory_space<vmem_shared>> -> memref<256x128xf32, #tpu.memory_space<vmem_shared>>
    %dma_wait3A_288 = tpu.memref_slice %arg8[%dma_wait3A_278] : memref<6x!tpu.dma_semaphore, #tpu.memory_space<semaphore_mem>> -> memref<1x!tpu.dma_semaphore, #tpu.memory_space<semaphore_mem>>
    %dma_wait3A_289 = tpu.memref_squeeze %dma_wait3A_288 : memref<1x!tpu.dma_semaphore, #tpu.memory_space<semaphore_mem>> -> memref<!tpu.dma_semaphore, #tpu.memory_space<semaphore_mem>>
    tpu.wait_indirect_dma semaphore(%dma_wait3A_289 : memref<!tpu.dma_semaphore, #tpu.memory_space<semaphore_mem>>) src(%dma_wait3A_287 : memref<256x128xf32, #tpu.memory_space<vmem_shared>>) dst(%dma_wait3A_282 : memref<64x128xf32, #tpu.memory_space<vmem>>)
    %add3A_290 = arith.constant 320 : i32
    %add3A_291 = arith.addi %mul3A_2, %add3A_290 : i32
    %dma_start3A_292 = arith.constant 5 : i32
    %dma_start3A_293 = arith.constant 5 : i32
    %dma_start3A_294 = arith.constant 0 : i32
    %dma_start3A_295 = arith.constant 0 : i32
    %dma_start3A_296 = tpu.memref_slice %arg6[%dma_start3A_292, %dma_start3A_294, %dma_start3A_295] : memref<6x64x128xf32, #tpu.memory_space<vmem>> -> memref<1x64x128xf32, #tpu.memory_space<vmem>>
    %dma_start3A_297 = tpu.memref_squeeze %dma_start3A_296 : memref<1x64x128xf32, #tpu.memory_space<vmem>> -> memref<64x128xf32, #tpu.memory_space<vmem>>
    %dma_start3A_298 = arith.constant 0 : i32
    %dma_start3A_299 = tpu.memref_slice %arg4[%add3A_291, %dma_start3A_298] : memref<16384x128xf32, #tpu.memory_space<hbm>> -> memref<64x128xf32, #tpu.memory_space<hbm>>
    %dma_start3A_300 = tpu.memref_slice %arg9[%dma_start3A_293] : memref<6x!tpu.dma_semaphore, #tpu.memory_space<semaphore_mem>> -> memref<1x!tpu.dma_semaphore, #tpu.memory_space<semaphore_mem>>
    %dma_start3A_301 = tpu.memref_squeeze %dma_start3A_300 : memref<1x!tpu.dma_semaphore, #tpu.memory_space<semaphore_mem>> -> memref<!tpu.dma_semaphore, #tpu.memory_space<semaphore_mem>>
    %dma_start3A_302 = arith.constant 0 : i32
    %dma_start3A_303 = tpu.memref_slice %arg4[%add3A_291, %dma_start3A_302] : memref<16384x128xf32, #tpu.memory_space<hbm>> -> memref<64x128xf32, #tpu.memory_space<hbm>>
    %dma_start3A_304 = arith.constant 0 : i32
    %dma_start3A_305 = arith.constant 0 : i32
    %dma_start3A_306 = tpu.memref_slice %arg6[%dma_start3A_292, %dma_start3A_304, %dma_start3A_305] : memref<6x64x128xf32, #tpu.memory_space<vmem>> -> memref<1x64x128xf32, #tpu.memory_space<vmem>>
    %dma_start3A_307 = tpu.memref_squeeze %dma_start3A_306 : memref<1x64x128xf32, #tpu.memory_space<vmem>> -> memref<64x128xf32, #tpu.memory_space<vmem>>
    tpu.enqueue_dma source(%dma_start3A_307 : memref<64x128xf32, #tpu.memory_space<vmem>>) target(%dma_start3A_303 : memref<64x128xf32, #tpu.memory_space<hbm>>) target_semaphore(%dma_start3A_301 : memref<!tpu.dma_semaphore, #tpu.memory_space<semaphore_mem>>)
    %dma_wait3A_308 = arith.constant 1 : i32
    %dma_wait3A_309 = arith.constant 1 : i32
    %dma_wait3A_310 = arith.constant 0 : i32
    %dma_wait3A_311 = arith.constant 0 : i32
    %dma_wait3A_312 = tpu.memref_slice %arg6[%dma_wait3A_308, %dma_wait3A_310, %dma_wait3A_311] : memref<6x64x128xf32, #tpu.memory_space<vmem>> -> memref<1x64x128xf32, #tpu.memory_space<vmem>>
    %dma_wait3A_313 = tpu.memref_squeeze %dma_wait3A_312 : memref<1x64x128xf32, #tpu.memory_space<vmem>> -> memref<64x128xf32, #tpu.memory_space<vmem>>
    %dma_wait3A_314 = arith.constant 0 : i32
    %dma_wait3A_315 = tpu.memref_slice %arg4[%add3A_99, %dma_wait3A_314] : memref<16384x128xf32, #tpu.memory_space<hbm>> -> memref<64x128xf32, #tpu.memory_space<hbm>>
    %dma_wait3A_316 = tpu.memref_slice %arg9[%dma_wait3A_309] : memref<6x!tpu.dma_semaphore, #tpu.memory_space<semaphore_mem>> -> memref<1x!tpu.dma_semaphore, #tpu.memory_space<semaphore_mem>>
    %dma_wait3A_317 = tpu.memref_squeeze %dma_wait3A_316 : memref<1x!tpu.dma_semaphore, #tpu.memory_space<semaphore_mem>> -> memref<!tpu.dma_semaphore, #tpu.memory_space<semaphore_mem>>
    %dma_wait3A_318 = arith.constant 0 : i32
    %dma_wait3A_319 = tpu.memref_slice %arg4[%add3A_99, %dma_wait3A_318] : memref<16384x128xf32, #tpu.memory_space<hbm>> -> memref<64x128xf32, #tpu.memory_space<hbm>>
    %dma_wait3A_320 = arith.constant 0 : i32
    %dma_wait3A_321 = arith.constant 0 : i32
    %dma_wait3A_322 = tpu.memref_slice %arg6[%dma_wait3A_308, %dma_wait3A_320, %dma_wait3A_321] : memref<6x64x128xf32, #tpu.memory_space<vmem>> -> memref<1x64x128xf32, #tpu.memory_space<vmem>>
    %dma_wait3A_323 = tpu.memref_squeeze %dma_wait3A_322 : memref<1x64x128xf32, #tpu.memory_space<vmem>> -> memref<64x128xf32, #tpu.memory_space<vmem>>
    tpu.wait_dma2 semaphore(%dma_wait3A_317 : memref<!tpu.dma_semaphore, #tpu.memory_space<semaphore_mem>>) src(%dma_wait3A_323 : memref<64x128xf32, #tpu.memory_space<vmem>>) dst(%dma_wait3A_319 : memref<64x128xf32, #tpu.memory_space<hbm>>)
    %dma_start3A_324 = arith.constant 1 : i32
    %dma_start3A_325 = arith.constant 1 : i32
    %dma_start3A_326 = arith.constant 0 : i32
    %dma_start3A_327 = arith.constant 0 : i32
    %dma_start3A_328 = tpu.memref_slice %arg6[%dma_start3A_324, %dma_start3A_326, %dma_start3A_327] : memref<6x64x128xf32, #tpu.memory_space<vmem>> -> memref<1x64x128xf32, #tpu.memory_space<vmem>>
    %dma_start3A_329 = tpu.memref_squeeze %dma_start3A_328 : memref<1x64x128xf32, #tpu.memory_space<vmem>> -> memref<64x128xf32, #tpu.memory_space<vmem>>
    %dma_start3A_330 = arith.constant 448 : i32
    %dma_start3A_331 = tpu.memref_slice %arg5[%dma_start3A_330] : memref<512xi32, #tpu.memory_space<vmem>> -> memref<64xi32, #tpu.memory_space<vmem>>
    %dma_start3A_332 = arith.constant 0 : i32
    %dma_start3A_333 = arith.constant 0 : i32
    %dma_start3A_334 = tpu.memref_slice %arg7[%dma_start3A_332, %dma_start3A_333] : memref<256x128xf32, #tpu.memory_space<vmem_shared>> -> memref<256x128xf32, #tpu.memory_space<vmem_shared>>
    %dma_start3A_335 = tpu.memref_slice %arg8[%dma_start3A_325] : memref<6x!tpu.dma_semaphore, #tpu.memory_space<semaphore_mem>> -> memref<1x!tpu.dma_semaphore, #tpu.memory_space<semaphore_mem>>
    %dma_start3A_336 = tpu.memref_squeeze %dma_start3A_335 : memref<1x!tpu.dma_semaphore, #tpu.memory_space<semaphore_mem>> -> memref<!tpu.dma_semaphore, #tpu.memory_space<semaphore_mem>>
    tpu.enqueue_indirect_dma source(%dma_start3A_334 : memref<256x128xf32, #tpu.memory_space<vmem_shared>>) target(%dma_start3A_329 : memref<64x128xf32, #tpu.memory_space<vmem>>) offsets(%dma_start3A_331 : memref<64xi32, #tpu.memory_space<vmem>>) semaphore(%dma_start3A_336 : memref<!tpu.dma_semaphore, #tpu.memory_space<semaphore_mem>>)
    %dma_wait3A_337 = arith.constant 0 : i32
    %dma_wait3A_338 = arith.constant 0 : i32
    %dma_wait3A_339 = arith.constant 0 : i32
    %dma_wait3A_340 = arith.constant 0 : i32
    %dma_wait3A_341 = tpu.memref_slice %arg6[%dma_wait3A_337, %dma_wait3A_339, %dma_wait3A_340] : memref<6x64x128xf32, #tpu.memory_space<vmem>> -> memref<1x64x128xf32, #tpu.memory_space<vmem>>
    %dma_wait3A_342 = tpu.memref_squeeze %dma_wait3A_341 : memref<1x64x128xf32, #tpu.memory_space<vmem>> -> memref<64x128xf32, #tpu.memory_space<vmem>>
    %dma_wait3A_343 = arith.constant 384 : i32
    %dma_wait3A_344 = tpu.memref_slice %arg5[%dma_wait3A_343] : memref<512xi32, #tpu.memory_space<vmem>> -> memref<64xi32, #tpu.memory_space<vmem>>
    %dma_wait3A_345 = arith.constant 0 : i32
    %dma_wait3A_346 = arith.constant 0 : i32
    %dma_wait3A_347 = tpu.memref_slice %arg7[%dma_wait3A_345, %dma_wait3A_346] : memref<256x128xf32, #tpu.memory_space<vmem_shared>> -> memref<256x128xf32, #tpu.memory_space<vmem_shared>>
    %dma_wait3A_348 = tpu.memref_slice %arg8[%dma_wait3A_338] : memref<6x!tpu.dma_semaphore, #tpu.memory_space<semaphore_mem>> -> memref<1x!tpu.dma_semaphore, #tpu.memory_space<semaphore_mem>>
    %dma_wait3A_349 = tpu.memref_squeeze %dma_wait3A_348 : memref<1x!tpu.dma_semaphore, #tpu.memory_space<semaphore_mem>> -> memref<!tpu.dma_semaphore, #tpu.memory_space<semaphore_mem>>
    tpu.wait_indirect_dma semaphore(%dma_wait3A_349 : memref<!tpu.dma_semaphore, #tpu.memory_space<semaphore_mem>>) src(%dma_wait3A_347 : memref<256x128xf32, #tpu.memory_space<vmem_shared>>) dst(%dma_wait3A_342 : memref<64x128xf32, #tpu.memory_space<vmem>>)
    %add3A_350 = arith.constant 384 : i32
    %add3A_351 = arith.addi %mul3A_2, %add3A_350 : i32
    %dma_start3A_352 = arith.constant 0 : i32
    %dma_start3A_353 = arith.constant 0 : i32
    %dma_start3A_354 = arith.constant 0 : i32
    %dma_start3A_355 = arith.constant 0 : i32
    %dma_start3A_356 = tpu.memref_slice %arg6[%dma_start3A_352, %dma_start3A_354, %dma_start3A_355] : memref<6x64x128xf32, #tpu.memory_space<vmem>> -> memref<1x64x128xf32, #tpu.memory_space<vmem>>
    %dma_start3A_357 = tpu.memref_squeeze %dma_start3A_356 : memref<1x64x128xf32, #tpu.memory_space<vmem>> -> memref<64x128xf32, #tpu.memory_space<vmem>>
    %dma_start3A_358 = arith.constant 0 : i32
    %dma_start3A_359 = tpu.memref_slice %arg4[%add3A_351, %dma_start3A_358] : memref<16384x128xf32, #tpu.memory_space<hbm>> -> memref<64x128xf32, #tpu.memory_space<hbm>>
    %dma_start3A_360 = tpu.memref_slice %arg9[%dma_start3A_353] : memref<6x!tpu.dma_semaphore, #tpu.memory_space<semaphore_mem>> -> memref<1x!tpu.dma_semaphore, #tpu.memory_space<semaphore_mem>>
    %dma_start3A_361 = tpu.memref_squeeze %dma_start3A_360 : memref<1x!tpu.dma_semaphore, #tpu.memory_space<semaphore_mem>> -> memref<!tpu.dma_semaphore, #tpu.memory_space<semaphore_mem>>
    %dma_start3A_362 = arith.constant 0 : i32
    %dma_start3A_363 = tpu.memref_slice %arg4[%add3A_351, %dma_start3A_362] : memref<16384x128xf32, #tpu.memory_space<hbm>> -> memref<64x128xf32, #tpu.memory_space<hbm>>
    %dma_start3A_364 = arith.constant 0 : i32
    %dma_start3A_365 = arith.constant 0 : i32
    %dma_start3A_366 = tpu.memref_slice %arg6[%dma_start3A_352, %dma_start3A_364, %dma_start3A_365] : memref<6x64x128xf32, #tpu.memory_space<vmem>> -> memref<1x64x128xf32, #tpu.memory_space<vmem>>
    %dma_start3A_367 = tpu.memref_squeeze %dma_start3A_366 : memref<1x64x128xf32, #tpu.memory_space<vmem>> -> memref<64x128xf32, #tpu.memory_space<vmem>>
    tpu.enqueue_dma source(%dma_start3A_367 : memref<64x128xf32, #tpu.memory_space<vmem>>) target(%dma_start3A_363 : memref<64x128xf32, #tpu.memory_space<hbm>>) target_semaphore(%dma_start3A_361 : memref<!tpu.dma_semaphore, #tpu.memory_space<semaphore_mem>>)
    %dma_wait3A_368 = arith.constant 1 : i32
    %dma_wait3A_369 = arith.constant 1 : i32
    %dma_wait3A_370 = arith.constant 0 : i32
    %dma_wait3A_371 = arith.constant 0 : i32
    %dma_wait3A_372 = tpu.memref_slice %arg6[%dma_wait3A_368, %dma_wait3A_370, %dma_wait3A_371] : memref<6x64x128xf32, #tpu.memory_space<vmem>> -> memref<1x64x128xf32, #tpu.memory_space<vmem>>
    %dma_wait3A_373 = tpu.memref_squeeze %dma_wait3A_372 : memref<1x64x128xf32, #tpu.memory_space<vmem>> -> memref<64x128xf32, #tpu.memory_space<vmem>>
    %dma_wait3A_374 = arith.constant 448 : i32
    %dma_wait3A_375 = tpu.memref_slice %arg5[%dma_wait3A_374] : memref<512xi32, #tpu.memory_space<vmem>> -> memref<64xi32, #tpu.memory_space<vmem>>
    %dma_wait3A_376 = arith.constant 0 : i32
    %dma_wait3A_377 = arith.constant 0 : i32
    %dma_wait3A_378 = tpu.memref_slice %arg7[%dma_wait3A_376, %dma_wait3A_377] : memref<256x128xf32, #tpu.memory_space<vmem_shared>> -> memref<256x128xf32, #tpu.memory_space<vmem_shared>>
    %dma_wait3A_379 = tpu.memref_slice %arg8[%dma_wait3A_369] : memref<6x!tpu.dma_semaphore, #tpu.memory_space<semaphore_mem>> -> memref<1x!tpu.dma_semaphore, #tpu.memory_space<semaphore_mem>>
    %dma_wait3A_380 = tpu.memref_squeeze %dma_wait3A_379 : memref<1x!tpu.dma_semaphore, #tpu.memory_space<semaphore_mem>> -> memref<!tpu.dma_semaphore, #tpu.memory_space<semaphore_mem>>
    tpu.wait_indirect_dma semaphore(%dma_wait3A_380 : memref<!tpu.dma_semaphore, #tpu.memory_space<semaphore_mem>>) src(%dma_wait3A_378 : memref<256x128xf32, #tpu.memory_space<vmem_shared>>) dst(%dma_wait3A_373 : memref<64x128xf32, #tpu.memory_space<vmem>>)
    %add3A_381 = arith.constant 448 : i32
    %add3A_382 = arith.addi %mul3A_2, %add3A_381 : i32
    %dma_start3A_383 = arith.constant 1 : i32
    %dma_start3A_384 = arith.constant 1 : i32
    %dma_start3A_385 = arith.constant 0 : i32
    %dma_start3A_386 = arith.constant 0 : i32
    %dma_start3A_387 = tpu.memref_slice %arg6[%dma_start3A_383, %dma_start3A_385, %dma_start3A_386] : memref<6x64x128xf32, #tpu.memory_space<vmem>> -> memref<1x64x128xf32, #tpu.memory_space<vmem>>
    %dma_start3A_388 = tpu.memref_squeeze %dma_start3A_387 : memref<1x64x128xf32, #tpu.memory_space<vmem>> -> memref<64x128xf32, #tpu.memory_space<vmem>>
    %dma_start3A_389 = arith.constant 0 : i32
    %dma_start3A_390 = tpu.memref_slice %arg4[%add3A_382, %dma_start3A_389] : memref<16384x128xf32, #tpu.memory_space<hbm>> -> memref<64x128xf32, #tpu.memory_space<hbm>>
    %dma_start3A_391 = tpu.memref_slice %arg9[%dma_start3A_384] : memref<6x!tpu.dma_semaphore, #tpu.memory_space<semaphore_mem>> -> memref<1x!tpu.dma_semaphore, #tpu.memory_space<semaphore_mem>>
    %dma_start3A_392 = tpu.memref_squeeze %dma_start3A_391 : memref<1x!tpu.dma_semaphore, #tpu.memory_space<semaphore_mem>> -> memref<!tpu.dma_semaphore, #tpu.memory_space<semaphore_mem>>
    %dma_start3A_393 = arith.constant 0 : i32
    %dma_start3A_394 = tpu.memref_slice %arg4[%add3A_382, %dma_start3A_393] : memref<16384x128xf32, #tpu.memory_space<hbm>> -> memref<64x128xf32, #tpu.memory_space<hbm>>
    %dma_start3A_395 = arith.constant 0 : i32
    %dma_start3A_396 = arith.constant 0 : i32
    %dma_start3A_397 = tpu.memref_slice %arg6[%dma_start3A_383, %dma_start3A_395, %dma_start3A_396] : memref<6x64x128xf32, #tpu.memory_space<vmem>> -> memref<1x64x128xf32, #tpu.memory_space<vmem>>
    %dma_start3A_398 = tpu.memref_squeeze %dma_start3A_397 : memref<1x64x128xf32, #tpu.memory_space<vmem>> -> memref<64x128xf32, #tpu.memory_space<vmem>>
    tpu.enqueue_dma source(%dma_start3A_398 : memref<64x128xf32, #tpu.memory_space<vmem>>) target(%dma_start3A_394 : memref<64x128xf32, #tpu.memory_space<hbm>>) target_semaphore(%dma_start3A_392 : memref<!tpu.dma_semaphore, #tpu.memory_space<semaphore_mem>>)
    %dma_wait3A_399 = arith.constant 2 : i32
    %dma_wait3A_400 = arith.constant 2 : i32
    %dma_wait3A_401 = arith.constant 0 : i32
    %dma_wait3A_402 = arith.constant 0 : i32
    %dma_wait3A_403 = tpu.memref_slice %arg6[%dma_wait3A_399, %dma_wait3A_401, %dma_wait3A_402] : memref<6x64x128xf32, #tpu.memory_space<vmem>> -> memref<1x64x128xf32, #tpu.memory_space<vmem>>
    %dma_wait3A_404 = tpu.memref_squeeze %dma_wait3A_403 : memref<1x64x128xf32, #tpu.memory_space<vmem>> -> memref<64x128xf32, #tpu.memory_space<vmem>>
    %dma_wait3A_405 = arith.constant 0 : i32
    %dma_wait3A_406 = tpu.memref_slice %arg4[%add3A_143, %dma_wait3A_405] : memref<16384x128xf32, #tpu.memory_space<hbm>> -> memref<64x128xf32, #tpu.memory_space<hbm>>
    %dma_wait3A_407 = tpu.memref_slice %arg9[%dma_wait3A_400] : memref<6x!tpu.dma_semaphore, #tpu.memory_space<semaphore_mem>> -> memref<1x!tpu.dma_semaphore, #tpu.memory_space<semaphore_mem>>
    %dma_wait3A_408 = tpu.memref_squeeze %dma_wait3A_407 : memref<1x!tpu.dma_semaphore, #tpu.memory_space<semaphore_mem>> -> memref<!tpu.dma_semaphore, #tpu.memory_space<semaphore_mem>>
    %dma_wait3A_409 = arith.constant 0 : i32
    %dma_wait3A_410 = tpu.memref_slice %arg4[%add3A_143, %dma_wait3A_409] : memref<16384x128xf32, #tpu.memory_space<hbm>> -> memref<64x128xf32, #tpu.memory_space<hbm>>
    %dma_wait3A_411 = arith.constant 0 : i32
    %dma_wait3A_412 = arith.constant 0 : i32
    %dma_wait3A_413 = tpu.memref_slice %arg6[%dma_wait3A_399, %dma_wait3A_411, %dma_wait3A_412] : memref<6x64x128xf32, #tpu.memory_space<vmem>> -> memref<1x64x128xf32, #tpu.memory_space<vmem>>
    %dma_wait3A_414 = tpu.memref_squeeze %dma_wait3A_413 : memref<1x64x128xf32, #tpu.memory_space<vmem>> -> memref<64x128xf32, #tpu.memory_space<vmem>>
    tpu.wait_dma2 semaphore(%dma_wait3A_408 : memref<!tpu.dma_semaphore, #tpu.memory_space<semaphore_mem>>) src(%dma_wait3A_414 : memref<64x128xf32, #tpu.memory_space<vmem>>) dst(%dma_wait3A_410 : memref<64x128xf32, #tpu.memory_space<hbm>>)
    %dma_wait3A_415 = arith.constant 3 : i32
    %dma_wait3A_416 = arith.constant 3 : i32
    %dma_wait3A_417 = arith.constant 0 : i32
    %dma_wait3A_418 = arith.constant 0 : i32
    %dma_wait3A_419 = tpu.memref_slice %arg6[%dma_wait3A_415, %dma_wait3A_417, %dma_wait3A_418] : memref<6x64x128xf32, #tpu.memory_space<vmem>> -> memref<1x64x128xf32, #tpu.memory_space<vmem>>
    %dma_wait3A_420 = tpu.memref_squeeze %dma_wait3A_419 : memref<1x64x128xf32, #tpu.memory_space<vmem>> -> memref<64x128xf32, #tpu.memory_space<vmem>>
    %dma_wait3A_421 = arith.constant 0 : i32
    %dma_wait3A_422 = tpu.memref_slice %arg4[%add3A_187, %dma_wait3A_421] : memref<16384x128xf32, #tpu.memory_space<hbm>> -> memref<64x128xf32, #tpu.memory_space<hbm>>
    %dma_wait3A_423 = tpu.memref_slice %arg9[%dma_wait3A_416] : memref<6x!tpu.dma_semaphore, #tpu.memory_space<semaphore_mem>> -> memref<1x!tpu.dma_semaphore, #tpu.memory_space<semaphore_mem>>
    %dma_wait3A_424 = tpu.memref_squeeze %dma_wait3A_423 : memref<1x!tpu.dma_semaphore, #tpu.memory_space<semaphore_mem>> -> memref<!tpu.dma_semaphore, #tpu.memory_space<semaphore_mem>>
    %dma_wait3A_425 = arith.constant 0 : i32
    %dma_wait3A_426 = tpu.memref_slice %arg4[%add3A_187, %dma_wait3A_425] : memref<16384x128xf32, #tpu.memory_space<hbm>> -> memref<64x128xf32, #tpu.memory_space<hbm>>
    %dma_wait3A_427 = arith.constant 0 : i32
    %dma_wait3A_428 = arith.constant 0 : i32
    %dma_wait3A_429 = tpu.memref_slice %arg6[%dma_wait3A_415, %dma_wait3A_427, %dma_wait3A_428] : memref<6x64x128xf32, #tpu.memory_space<vmem>> -> memref<1x64x128xf32, #tpu.memory_space<vmem>>
    %dma_wait3A_430 = tpu.memref_squeeze %dma_wait3A_429 : memref<1x64x128xf32, #tpu.memory_space<vmem>> -> memref<64x128xf32, #tpu.memory_space<vmem>>
    tpu.wait_dma2 semaphore(%dma_wait3A_424 : memref<!tpu.dma_semaphore, #tpu.memory_space<semaphore_mem>>) src(%dma_wait3A_430 : memref<64x128xf32, #tpu.memory_space<vmem>>) dst(%dma_wait3A_426 : memref<64x128xf32, #tpu.memory_space<hbm>>)
    %dma_wait3A_431 = arith.constant 4 : i32
    %dma_wait3A_432 = arith.constant 4 : i32
    %dma_wait3A_433 = arith.constant 0 : i32
    %dma_wait3A_434 = arith.constant 0 : i32
    %dma_wait3A_435 = tpu.memref_slice %arg6[%dma_wait3A_431, %dma_wait3A_433, %dma_wait3A_434] : memref<6x64x128xf32, #tpu.memory_space<vmem>> -> memref<1x64x128xf32, #tpu.memory_space<vmem>>
    %dma_wait3A_436 = tpu.memref_squeeze %dma_wait3A_435 : memref<1x64x128xf32, #tpu.memory_space<vmem>> -> memref<64x128xf32, #tpu.memory_space<vmem>>
    %dma_wait3A_437 = arith.constant 0 : i32
    %dma_wait3A_438 = tpu.memref_slice %arg4[%add3A_231, %dma_wait3A_437] : memref<16384x128xf32, #tpu.memory_space<hbm>> -> memref<64x128xf32, #tpu.memory_space<hbm>>
    %dma_wait3A_439 = tpu.memref_slice %arg9[%dma_wait3A_432] : memref<6x!tpu.dma_semaphore, #tpu.memory_space<semaphore_mem>> -> memref<1x!tpu.dma_semaphore, #tpu.memory_space<semaphore_mem>>
    %dma_wait3A_440 = tpu.memref_squeeze %dma_wait3A_439 : memref<1x!tpu.dma_semaphore, #tpu.memory_space<semaphore_mem>> -> memref<!tpu.dma_semaphore, #tpu.memory_space<semaphore_mem>>
    %dma_wait3A_441 = arith.constant 0 : i32
    %dma_wait3A_442 = tpu.memref_slice %arg4[%add3A_231, %dma_wait3A_441] : memref<16384x128xf32, #tpu.memory_space<hbm>> -> memref<64x128xf32, #tpu.memory_space<hbm>>
    %dma_wait3A_443 = arith.constant 0 : i32
    %dma_wait3A_444 = arith.constant 0 : i32
    %dma_wait3A_445 = tpu.memref_slice %arg6[%dma_wait3A_431, %dma_wait3A_443, %dma_wait3A_444] : memref<6x64x128xf32, #tpu.memory_space<vmem>> -> memref<1x64x128xf32, #tpu.memory_space<vmem>>
    %dma_wait3A_446 = tpu.memref_squeeze %dma_wait3A_445 : memref<1x64x128xf32, #tpu.memory_space<vmem>> -> memref<64x128xf32, #tpu.memory_space<vmem>>
    tpu.wait_dma2 semaphore(%dma_wait3A_440 : memref<!tpu.dma_semaphore, #tpu.memory_space<semaphore_mem>>) src(%dma_wait3A_446 : memref<64x128xf32, #tpu.memory_space<vmem>>) dst(%dma_wait3A_442 : memref<64x128xf32, #tpu.memory_space<hbm>>)
    %dma_wait3A_447 = arith.constant 5 : i32
    %dma_wait3A_448 = arith.constant 5 : i32
    %dma_wait3A_449 = arith.constant 0 : i32
    %dma_wait3A_450 = arith.constant 0 : i32
    %dma_wait3A_451 = tpu.memref_slice %arg6[%dma_wait3A_447, %dma_wait3A_449, %dma_wait3A_450] : memref<6x64x128xf32, #tpu.memory_space<vmem>> -> memref<1x64x128xf32, #tpu.memory_space<vmem>>
    %dma_wait3A_452 = tpu.memref_squeeze %dma_wait3A_451 : memref<1x64x128xf32, #tpu.memory_space<vmem>> -> memref<64x128xf32, #tpu.memory_space<vmem>>
    %dma_wait3A_453 = arith.constant 0 : i32
    %dma_wait3A_454 = tpu.memref_slice %arg4[%add3A_291, %dma_wait3A_453] : memref<16384x128xf32, #tpu.memory_space<hbm>> -> memref<64x128xf32, #tpu.memory_space<hbm>>
    %dma_wait3A_455 = tpu.memref_slice %arg9[%dma_wait3A_448] : memref<6x!tpu.dma_semaphore, #tpu.memory_space<semaphore_mem>> -> memref<1x!tpu.dma_semaphore, #tpu.memory_space<semaphore_mem>>
    %dma_wait3A_456 = tpu.memref_squeeze %dma_wait3A_455 : memref<1x!tpu.dma_semaphore, #tpu.memory_space<semaphore_mem>> -> memref<!tpu.dma_semaphore, #tpu.memory_space<semaphore_mem>>
    %dma_wait3A_457 = arith.constant 0 : i32
    %dma_wait3A_458 = tpu.memref_slice %arg4[%add3A_291, %dma_wait3A_457] : memref<16384x128xf32, #tpu.memory_space<hbm>> -> memref<64x128xf32, #tpu.memory_space<hbm>>
    %dma_wait3A_459 = arith.constant 0 : i32
    %dma_wait3A_460 = arith.constant 0 : i32
    %dma_wait3A_461 = tpu.memref_slice %arg6[%dma_wait3A_447, %dma_wait3A_459, %dma_wait3A_460] : memref<6x64x128xf32, #tpu.memory_space<vmem>> -> memref<1x64x128xf32, #tpu.memory_space<vmem>>
    %dma_wait3A_462 = tpu.memref_squeeze %dma_wait3A_461 : memref<1x64x128xf32, #tpu.memory_space<vmem>> -> memref<64x128xf32, #tpu.memory_space<vmem>>
    tpu.wait_dma2 semaphore(%dma_wait3A_456 : memref<!tpu.dma_semaphore, #tpu.memory_space<semaphore_mem>>) src(%dma_wait3A_462 : memref<64x128xf32, #tpu.memory_space<vmem>>) dst(%dma_wait3A_458 : memref<64x128xf32, #tpu.memory_space<hbm>>)
    %dma_wait3A_463 = arith.constant 0 : i32
    %dma_wait3A_464 = arith.constant 0 : i32
    %dma_wait3A_465 = arith.constant 0 : i32
    %dma_wait3A_466 = arith.constant 0 : i32
    %dma_wait3A_467 = tpu.memref_slice %arg6[%dma_wait3A_463, %dma_wait3A_465, %dma_wait3A_466] : memref<6x64x128xf32, #tpu.memory_space<vmem>> -> memref<1x64x128xf32, #tpu.memory_space<vmem>>
    %dma_wait3A_468 = tpu.memref_squeeze %dma_wait3A_467 : memref<1x64x128xf32, #tpu.memory_space<vmem>> -> memref<64x128xf32, #tpu.memory_space<vmem>>
    %dma_wait3A_469 = arith.constant 0 : i32
    %dma_wait3A_470 = tpu.memref_slice %arg4[%add3A_351, %dma_wait3A_469] : memref<16384x128xf32, #tpu.memory_space<hbm>> -> memref<64x128xf32, #tpu.memory_space<hbm>>
    %dma_wait3A_471 = tpu.memref_slice %arg9[%dma_wait3A_464] : memref<6x!tpu.dma_semaphore, #tpu.memory_space<semaphore_mem>> -> memref<1x!tpu.dma_semaphore, #tpu.memory_space<semaphore_mem>>
    %dma_wait3A_472 = tpu.memref_squeeze %dma_wait3A_471 : memref<1x!tpu.dma_semaphore, #tpu.memory_space<semaphore_mem>> -> memref<!tpu.dma_semaphore, #tpu.memory_space<semaphore_mem>>
    %dma_wait3A_473 = arith.constant 0 : i32
    %dma_wait3A_474 = tpu.memref_slice %arg4[%add3A_351, %dma_wait3A_473] : memref<16384x128xf32, #tpu.memory_space<hbm>> -> memref<64x128xf32, #tpu.memory_space<hbm>>
    %dma_wait3A_475 = arith.constant 0 : i32
    %dma_wait3A_476 = arith.constant 0 : i32
    %dma_wait3A_477 = tpu.memref_slice %arg6[%dma_wait3A_463, %dma_wait3A_475, %dma_wait3A_476] : memref<6x64x128xf32, #tpu.memory_space<vmem>> -> memref<1x64x128xf32, #tpu.memory_space<vmem>>
    %dma_wait3A_478 = tpu.memref_squeeze %dma_wait3A_477 : memref<1x64x128xf32, #tpu.memory_space<vmem>> -> memref<64x128xf32, #tpu.memory_space<vmem>>
    tpu.wait_dma2 semaphore(%dma_wait3A_472 : memref<!tpu.dma_semaphore, #tpu.memory_space<semaphore_mem>>) src(%dma_wait3A_478 : memref<64x128xf32, #tpu.memory_space<vmem>>) dst(%dma_wait3A_474 : memref<64x128xf32, #tpu.memory_space<hbm>>)
    %dma_wait3A_479 = arith.constant 1 : i32
    %dma_wait3A_480 = arith.constant 1 : i32
    %dma_wait3A_481 = arith.constant 0 : i32
    %dma_wait3A_482 = arith.constant 0 : i32
    %dma_wait3A_483 = tpu.memref_slice %arg6[%dma_wait3A_479, %dma_wait3A_481, %dma_wait3A_482] : memref<6x64x128xf32, #tpu.memory_space<vmem>> -> memref<1x64x128xf32, #tpu.memory_space<vmem>>
    %dma_wait3A_484 = tpu.memref_squeeze %dma_wait3A_483 : memref<1x64x128xf32, #tpu.memory_space<vmem>> -> memref<64x128xf32, #tpu.memory_space<vmem>>
    %dma_wait3A_485 = arith.constant 0 : i32
    %dma_wait3A_486 = tpu.memref_slice %arg4[%add3A_382, %dma_wait3A_485] : memref<16384x128xf32, #tpu.memory_space<hbm>> -> memref<64x128xf32, #tpu.memory_space<hbm>>
    %dma_wait3A_487 = tpu.memref_slice %arg9[%dma_wait3A_480] : memref<6x!tpu.dma_semaphore, #tpu.memory_space<semaphore_mem>> -> memref<1x!tpu.dma_semaphore, #tpu.memory_space<semaphore_mem>>
    %dma_wait3A_488 = tpu.memref_squeeze %dma_wait3A_487 : memref<1x!tpu.dma_semaphore, #tpu.memory_space<semaphore_mem>> -> memref<!tpu.dma_semaphore, #tpu.memory_space<semaphore_mem>>
    %dma_wait3A_489 = arith.constant 0 : i32
    %dma_wait3A_490 = tpu.memref_slice %arg4[%add3A_382, %dma_wait3A_489] : memref<16384x128xf32, #tpu.memory_space<hbm>> -> memref<64x128xf32, #tpu.memory_space<hbm>>
    %dma_wait3A_491 = arith.constant 0 : i32
    %dma_wait3A_492 = arith.constant 0 : i32
    %dma_wait3A_493 = tpu.memref_slice %arg6[%dma_wait3A_479, %dma_wait3A_491, %dma_wait3A_492] : memref<6x64x128xf32, #tpu.memory_space<vmem>> -> memref<1x64x128xf32, #tpu.memory_space<vmem>>
    %dma_wait3A_494 = tpu.memref_squeeze %dma_wait3A_493 : memref<1x64x128xf32, #tpu.memory_space<vmem>> -> memref<64x128xf32, #tpu.memory_space<vmem>>
    tpu.wait_dma2 semaphore(%dma_wait3A_488 : memref<!tpu.dma_semaphore, #tpu.memory_space<semaphore_mem>>) src(%dma_wait3A_494 : memref<64x128xf32, #tpu.memory_space<vmem>>) dst(%dma_wait3A_490 : memref<64x128xf32, #tpu.memory_space<hbm>>)
    return
  }
}

</mosaic_0001>

<sc_bundles>
// kernel: kernel.3.cloned.1.call-start
scs
__scs_entry_jumppad:
0x0: {  	(pc) =	sbr.rel $0x88, $3  }
0x1: {  	(tag) =	ssettag $0x0;
	lr =	simm.s32 $0x1  }
0x2: {  	[smem:$0x3F9F] =	sst lr;
	_ =	strace $0xD0000000  }
0x3: {  	_ = 	snop  }
0x4: {  	_ = 	snop  }
0x5: {  	_ = 	snop  }
0x6: {  	_ = 	snop  }
0x7: {  	_ = 	snop  }
__scs_overlays_trampoline_lowered:
0x8: {  	[smem:$0x3FAE] =	sst s0  }
0x9: {  	[smem:$0x3FAF] =	sst s1  }
0xa: {  	[smem:$0x3FB0] =	sst s2  }
0xb: {  	[smem:$0x3FB1] =	sst s3  }
0xc: {  	[smem:$0x3FB2] =	sst s4  }
0xd: {  	[smem:$0x3FB3] =	sst s5  }
0xe: {  	[smem:$0x3FB4] =	sst s6  }
0xf: {  	[smem:$0x3FB5] =	sst s7  }
0x10: {  	[smem:$0x3FB6] =	sst s8  }
0x11: {  	[smem:$0x3FB7] =	sst s9;
	s0 =	simm.s32 @!p0 $0x0  }
0x12: {  	s1 =	sld [smem:$0x3F9D];
	s0 =	simm.s32 @p0 $0x1  }
0x13: {  	[smem:$0x3FB8] =	sst s0;
	s0 =	simm.s32 @!p1 $0x0  }
0x14: {  	s2 =	sld [smem:$0x3F9C];
	s0 =	simm.s32 @p1 $0x1  }
0x15: {  	[smem:$0x3FB9] =	sst s0;
	s0 =	simm.s32 @!p2 $0x0  }
0x16: {  	s3 =	sld [smem:$0x3FDB];
	s0 =	simm.s32 @p2 $0x1  }
0x17: {  	s4 =	simm.s32 $0x1BF5;
	[smem:$0x3FBB] =	sst s0  }
0x18: {  	s0 =	sld [smem:$0x3F9E];
	_ =	swait.ge [sflag:s4], $0x0  }
0x19: {  	s7 =	sld [smem:$0x3F9F]  }
0x1a: {  	s8 =	sadd.s32 $0xFFFFE003, lr  }
0x1b: {  	s9 =	sadd.s32 $0xFFFFFEF7, lr;
	s5 =	simm.s32 $0xFFFFFFFF;
	p2 =	slt.u32 s8, $0xFFFFF086  }
0x1c: {  	p1 =	slt.u32 s9, $0xF7A;
	s5 =	simm.s32 @!p2 $0x0  }
0x1d: {  	s5 =	simm.s32 @p1 $0x1;
	p0 =	seq.s32 s7, s2  }
0x1e: {  	s7 =	smul.u32 @!p0 $0xF7A, s2;
	p2 =	seq.s32 @!p0 s5, $0x0  }
0x1f: {  	s9 =	smul.u32 $0xF7A, s1;
	s8 =	simm.s32 @!p0 $0x1BF5;
	p2 =	por !p2, p0  }
0x20: {  	[sflag:s8] =	ssyncset.s32 @!p0 $0xFFFFF086;
	s6 =	sadd.s32 @!p0 s3, s7;
	s7 =	simm.s32 @!p0 $0x108  }
0x21: {  	s3 =	sadd.s32 s3, s9;
	s6 =	sadd.s32 @!p0 $0x88, s6;
	s7 =	simm.s32 @p2 $0x1082  }
0x22: {  	[simem:s7], [sflag:s8] =	dma.local @!p0 [hbm:s6], $0xF7A  }
0x23: {  	s9 =	sor.u32 $0xD0000000, s2;
	s6 =	simm.s32 $0x108;
	_ =	swait.ge @!p0 [sflag:s8], $0x0  }
0x24: {  	s3 =	sadd.s32 $0x88, s3;
	s6 =	simm.s32 @!p1 $0x1082;
	[sflag:s4] =	ssyncset.s32 $0xFFFFF086  }
0x25: {  	[simem:s6], [sflag:s4] =	dma.local [hbm:s3], $0xF7A  }
0x26: {  	[smem:$0x3F9F] =	sst s1;
	(tag) =	ssettag s2;
	_ =	strace s9  }
0x27: {  	s1 =	sld [smem:$0x3FAF]  }
0x28: {  	s2 =	sld [smem:$0x3FB0]  }
0x29: {  	s4 =	sld [smem:$0x3FB2]  }
0x2a: {  	p0 =	seq.s32 s5, $0x0;
	s5 =	sld [smem:$0x3FB3]  }
0x2b: {  	s6 =	sld [smem:$0x3FB4]  }
0x2c: {  	s7 =	sld [smem:$0x3FB5]  }
0x2d: {  	s3 =	simm.s32 $0x108;
	s8 =	sld [smem:$0x3FB6]  }
0x2e: {  	s3 =	simm.s32 @!p0 $0x1082;
	s9 =	sld [smem:$0x3FB7]  }
0x2f: {  	lr =	sadd.s32 s0, s3;
	s0 =	sld [smem:$0x3FAE]  }
0x30: {  	s3 =	sld [smem:$0x3FB1]  }
0x31: {  	[smem:$0x3FBA] =	sst s10  }
0x32: {  	s10 =	sld [smem:$0x3FB8];
	_ =	sdelay $0x3  }
0x33: {  	p0 =	seq.s32 s10, $0x1;
	s10 =	sld [smem:$0x3FBA];
	_ =	sdelay $0x3  }
0x34: {  	[smem:$0x3FBA] =	sst s10  }
0x35: {  	s10 =	sld [smem:$0x3FB9];
	_ =	sdelay $0x3  }
0x36: {  	p1 =	seq.s32 s10, $0x1;
	s10 =	sld [smem:$0x3FBA];
	_ =	sdelay $0x3  }
0x37: {  	[smem:$0x3FBA] =	sst s10  }
0x38: {  	s10 =	sld [smem:$0x3FBB]  }
0x39: {  	_ = 	snop;
	(pc) =	sbr.ind lr, $3  }
0x3a: {  	_ = 	snop  }
0x3b: {  	_ = 	snop  }
0x3c: {  	p2 =	seq.s32 s10, $0x1;
	s10 =	sld [smem:$0x3FBA]  }
0x3d: {  	_ =	shalt  }
0x3e: {  	_ =	shalt  }
0x3f: {  	_ =	shalt  }
0x40: {  	_ =	shalt  }
0x41: {  	_ =	shalt  }
0x42: {  	_ =	shalt  }
0x43: {  	_ =	shalt  }
0x44: {  	_ =	shalt  }
0x45: {  	_ =	shalt  }
0x46: {  	_ =	shalt  }
0x47: {  	_ =	shalt  }
0x48: {  	_ =	shalt  }
0x49: {  	_ =	shalt  }
0x4a: {  	_ =	shalt  }
0x4b: {  	_ =	shalt  }
0x4c: {  	_ =	shalt  }
0x4d: {  	_ =	shalt  }
0x4e: {  	_ =	shalt  }
0x4f: {  	_ =	shalt  }
0x50: {  	_ =	shalt  }
0x51: {  	_ =	shalt  }
0x52: {  	_ =	shalt  }
0x53: {  	_ =	shalt  }
0x54: {  	_ =	shalt  }
0x55: {  	_ =	shalt  }
0x56: {  	_ =	shalt  }
0x57: {  	_ =	shalt  }
0x58: {  	_ =	shalt  }
0x59: {  	_ =	shalt  }
0x5a: {  	_ =	shalt  }
0x5b: {  	_ =	shalt  }
0x5c: {  	_ =	shalt  }
0x5d: {  	_ =	shalt  }
0x5e: {  	_ =	shalt  }
0x5f: {  	_ =	shalt  }
0x60: {  	_ =	shalt  }
0x61: {  	_ =	shalt  }
0x62: {  	_ =	shalt  }
0x63: {  	_ =	shalt  }
0x64: {  	_ =	shalt  }
0x65: {  	_ =	shalt  }
0x66: {  	_ =	shalt  }
0x67: {  	_ =	shalt  }
0x68: {  	_ =	shalt  }
0x69: {  	_ =	shalt  }
0x6a: {  	_ =	shalt  }
0x6b: {  	_ =	shalt  }
0x6c: {  	_ =	shalt  }
0x6d: {  	_ =	shalt  }
0x6e: {  	_ =	shalt  }
0x6f: {  	_ =	shalt  }
0x70: {  	_ =	shalt  }
0x71: {  	_ =	shalt  }
0x72: {  	_ =	shalt  }
0x73: {  	_ =	shalt  }
0x74: {  	_ =	shalt  }
0x75: {  	_ =	shalt  }
0x76: {  	_ =	shalt  }
0x77: {  	_ =	shalt  }
0x78: {  	_ =	shalt  }
0x79: {  	_ =	shalt  }
0x7a: {  	_ =	shalt  }
0x7b: {  	_ =	shalt  }
0x7c: {  	_ =	shalt  }
0x7d: {  	_ =	shalt  }
0x7e: {  	_ =	shalt  }
0x7f: {  	_ =	shalt  }
0x80: {  	_ =	shalt  }
0x81: {  	_ =	shalt  }
0x82: {  	_ =	shalt  }
0x83: {  	_ =	shalt  }
0x84: {  	_ =	shalt  }
0x85: {  	_ =	shalt  }
0x86: {  	_ =	shalt  }
0x87: {  	_ =	shalt  }
.Lfunc_end0:
.L_simem_size_0:
called_computation_lowered:
.L_overlay_start_0:
0x88: {  	s2 =	sld [smem:$0x3FD9]  }
0x89: {  	s3 =	sld [smem:$0x3FFE];
	_ =	sdelay $0x1  }
0x8a: {  	s1 =	srdreg.scid  }
0x8b: {  	s0 =	sand.u32 $0x1, s1  }
0x8c: {  	s18 =	sshll.u32 s0, $0xA;
	s2 =	sadd.s32 s3, s2  }
0x8d: {  	s2 =	sadd.s32 s2, s18  }
0x8e: {  	[smem:$0x3FC6] =	sst s2  }
0x8f: {  	_ = 	snop  }
0x90: {  	s2 =	sld [smem:$0x3FC9]  }
0x91: {  	s19 =	sld [smem:$0x3FC8]  }
0x92: {  	s4 =	sld [smem:$0x3FD0];
	(tm) =	ssettm $0x1  }
0x93: {  	s5 =	sld [smem:$0x3FFB];
	_ =	sdelay $0x3  }
0x94: {  	_ =	strace s5  }
0x95: {  	s5 =	sld [smem:$0x3FFC];
	_ =	sdelay $0x3  }
0x96: {  	_ =	strace s5  }
0x97: {  	s5 =	sld [smem:$0x3FFD];
	_ =	sdelay $0x3  }
0x98: {  	_ =	strace s5  }
0x99: {  	_ =	strace $0x8FFFFFFF  }
0x9a: {  	s20 =	sld [smem:$0x3FDB];
	_ =	sdelay $0x1  }
0x9b: {  	s6 =	simm.s32 $_scs_section_size  }
0x9c: {  	s7 =	simm.s32 $_size__tile_overlayer_lowered;
	s8 =	simm.s32 $_tile_overlayer_lowered  }
0x9d: {  	s23 =	simm.s32 $0x1BFF;
	s22 =	sshll.u32 s8, $0x1;
	s5 =	sadd.s32 s6, s20  }
0x9e: {  	s9 =	simm.s32 $0x0;
	s21 =	sshll.u32 s7, $0x1;
	s7 =	sadd.s32 s22, s5  }
0x9f: {  	[timem:s9], [sflag:s23] =	dma.local [hbm:s7], s21  }
0xa0: {  	_ =	swait.ge [sflag:s23], s21  }
0xa1: {  	s6 =	ssub.s32 $0x0, s21;
	[sflag:s23] =	ssyncset.done $0x0  }
0xa2: {  	[sflag:s23] =	ssyncadd.s32 s6;
	_ =	sdelay $0x1  }
0xa3: {  	s24 =	simm.s32 $0x1B8B  }
0xa4: {  	_ =	swait.ge [sflag:s24], $0x1  }
0xa5: {  	[sflag:s24] =	ssyncset.done $0x0  }
0xa6: {  	s25 =	simm.s32 $0x1B8E;
	[sflag:s24] =	ssyncadd.s32 $0xFFFFFFFF  }
0xa7: {  	s26 =	simm.s32 $execute0_lowered;
	[smem:$0x3FD2] =	sst s25  }
0xa8: {  	s6 =	sshll.u32 s26, $0x1;
	_ =	strace $0x80000046;
	[dreg:$0x1] =	wrdreg $0xFFFFFFFF  }
0xa9: {  	s28 =	simm.s32 $_size_execute0_lowered;
	s5 =	sadd.s32 s5, s6;
	[dreg:$0x0] =	wrdreg $0x0  }
0xaa: {  	s6 =	sshll.u32 s28, $0x1;
	[dreg:$0x2] =	wrdreg s5  }
0xab: {  	[dreg:$0x3] =	wrdreg s6  }
0xac: {  	[dreg:$0x4] =	wrdreg $0xC0  }
0xad: {  	_ =	task [dreg:s9], $0x5FFFF  }
0xae: {  	[dreg:$0x1] =	wrdreg $0xFFFFFFFF  }
0xaf: {  	[dreg:$0x0] =	wrdreg $0x60  }
0xb0: {  	[dreg:$0x2] =	wrdreg s19  }
0xb1: {  	[dreg:$0x3] =	wrdreg s2  }
0xb2: {  	[dreg:$0x4] =	wrdreg s4  }
0xb3: {  	[dreg:$0x5] =	wrdreg $0xC2000  }
0xb4: {  	[dreg:$0x6] =	wrdreg $0x9  }
0xb5: {  	_ =	task.clear_ibuf [dreg:s9], $0x7FFFF;
	_ =	strace $0x90000046  }
0xb6: {  	s29 =	simm.s32 $0x9;
	_ =	strace $0x80000048  }
0xb7: {  	_ =	swait.ge [sflag:s29], $0x1  }
0xb8: {  	[sflag:s29] =	ssyncadd.s32 $0xFFFFFFFF  }
0xb9: {  	_ =	strace $0x90000048  }
0xba: {  	_ =	sfence  }
0xbb: {  	s30 =	sld [smem:$0x0];
	_ =	sdelay $0x2  }
0xbc: {  	s31 =	sshll.u32 s1, $0xD;
	s1 =	sshrl.u32 s1, $0x2  }
0xbd: {  	s3 =	sand.u32 $0x4000, s31;
	s1 =	sadd.s32 s1, s30  }
0xbe: {  	s0 =	sor.u32 s3, s0;
	s1 =	sshll.u32 s1, $0x11  }
0xbf: {  	s0 =	sor.u32 s1, s0  }
0xc0: {  	s0 =	sadd.s32 $0x8F2B, s0  }
0xc1: {  	[sflag:s0] =	ssyncadd.remote.s32 $0x1  }
0xc2: {  	_ =	sfence.sel $0xFFFF  }
0xc3: {  	[dreg:$0x0] =	wrdreg $0xFFFFFFFF;
	(pc) =	sbr.abs _section_cstart, $3  }
0xc4: {  	[dreg:$0x1] =	wrdreg $0xFFFFFFFF  }
0xc5: {  	_ =	task.clear_ibuf [dreg:s9], $0x2FFFF;
	_ =	strace $0x9FFFFFFF  }
0xc6: {  	(tm) =	ssettm $0x7FFFFFFF  }
0xc7: {  	_ =	shalt  }
tec
execute0_lowered:
.L_overlay_start_1:
0x0: {  	(tag) =	ssettag $0x1  }
0x1: {  	s4 =	rddreg [dreg:$0x0]  }
0x2: {  	s5 =	rddreg [dreg:$0x1]  }
0x3: {  	s6 =	rddreg [dreg:$0x2]  }
0x4: {  	s2 =	rddreg [dreg:$0x3]  }
0x5: {  	s3 =	simm.s32 $0x0;
	s0 =	srdreg.scid;
	s1 =	stileid.u32  }
0x6: {  	s24 =	simm.s32 $0x80;
	[smem:$0x7FF] =	sst s3;
	s0 =	sand.u32 $0x1, s0  }
0x7: {  	s7 =	sshll.u32 s1, $0x8;
	s8 =	sshll.u32 s1, $0xA;
	s13 =	sshll.u32 s1, $0x6  }
0x8: {  	_ =	strace $0x80000047;
	s4 =	sadd.s32 s4, s7;
	[dreg:$0x10] =	wrdreg s24  }
0x9: {  	s9 =	sshll.u32 s0, $0x9;
	[dreg:$0x5] =	wrdreg s4;
	s4 =	sor.u32 $0x1C0D, s13  }
0xa: {  	s12 =	sor.u32 s9, s8;
	[dreg:$0x6] =	wrdreg s4  }
0xb: {  	s8 =	sshrl.u32 s12, $0x3;
	s7 =	sshll.u32 s12, $0x4;
	s23 =	rddreg [dreg:$0x5]  }
0xc: {  	s5 =	sadd.s32 s5, s8;
	s4 =	sadd.s32 s6, s7;
	s22 =	rddreg [dreg:$0x6]  }
0xd: {  	[dreg:$0x7] =	wrdreg s5;
	s14 =	sadd.s32 $0x400, s4  }
0xe: {  	s15 =	sadd.s32 $0x800, s4;
	[dreg:$0x8] =	wrdreg s14  }
0xf: {  	s16 =	sadd.s32 $0xC00, s4;
	[dreg:$0x9] =	wrdreg s15  }
0x10: {  	s17 =	sadd.s32 $0x1000, s4;
	[dreg:$0xa] =	wrdreg s16  }
0x11: {  	s18 =	sshll.u32 s1, $0xB;
	s19 =	sadd.s32 $0x1400, s4;
	[dreg:$0xb] =	wrdreg s17  }
0x12: {  	s6 =	sadd.s32 s18, s2;
	s20 =	sadd.s32 $0x1800, s4;
	[dreg:$0xc] =	wrdreg s19  }
0x13: {  	s21 =	sshrl.u32 s6, $0x3;
	[dreg:$0xd] =	wrdreg s20  }
0x14: {  	s7 =	sadd.s32 $0x1C00, s4;
	[dreg:$0xf] =	wrdreg s21  }
0x15: {  	[dreg:$0xe] =	wrdreg s7  }
0x16: {  	s5 =	rddreg [dreg:$0xf]  }
0x17: {  	[spmem:s5], [sflag:s22] =	dma.local [hbm:s23], $0x100  }
0x18: {  	s5 =	simm.s32 $0xD;
	s6 =	rddreg [dreg:$0x7]  }
0x19: {  	[tilespmem:s3], [sflag:$0xE] =	stream.linear.gather [hbm4b:s6+s3], $0x200, $0x38;
	[tilespmem:$0xCA00] =	vst v63  }
0x1a: {  	_ =	swait.ge [sflag:s5], $0x100  }
0x1b: {  	[sflag:s5] =	ssyncset.done $0x0  }
0x1c: {  	s6 =	simm.s32 $0xE;
	[sflag:s5] =	ssyncadd.s32 $0xFFFFFF00  }
0x1d: {  	_ =	swait.ge [sflag:s6], $0x200  }
0x1e: {  	[sflag:s6] =	ssyncset.done $0x0  }
0x1f: {  	[sflag:s6] =	ssyncadd.s32 $0xFFFFFE00  }
0x20: {  	s8 =	simm.s32 $0x200;
	s7 =	simm.s32 $0x40;
	[bflag:$0x0] =	sbarrier.arrive $0xFFFF  }
0x21: {  	[tilespmem:s8], [sflag:$0x1] =	stream.indirect.gather [spmem:s2], $0x80, s3, s7, $0xb8;
	[tilespmem:$0xCA00] =	vst v63  }
0x22: {  	s10 =	simm.s32 $0x1;
	s9 =	simm.s32 $0x2200  }
0x23: {  	[tilespmem:s9], [sflag:$0x2] =	stream.indirect.gather [spmem:s2], $0x80, s7, s7, $0xb8;
	[tilespmem:$0xCA00] =	vst v63  }
0x24: {  	_ =	swait.ge [sflag:s10], $0x2000  }
0x25: {  	[sflag:s10] =	ssyncset.done $0x0  }
0x26: {  	[sflag:s10] =	ssyncadd.s32 $0xFFFFE000  }
0x27: {  	[hbm4b:s4+s3] =	stream.linear.scatter [tilespmem:s8], [sflag:$0x7], $0x2000, $0x38;
	[tilespmem:$0xCA00] =	vst v63  }
0x28: {  	s11 =	simm.s32 $0x4200;
	s12 =	simm.s32 $0x2;
	s13 =	rddreg [dreg:$0x10]  }
0x29: {  	[tilespmem:s11], [sflag:$0x3] =	stream.indirect.gather [spmem:s2], $0x80, s13, s7, $0xb8;
	[tilespmem:$0xCA00] =	vst v63  }
0x2a: {  	_ =	swait.ge [sflag:s12], $0x2000  }
0x2b: {  	[sflag:s12] =	ssyncset.done $0x0  }
0x2c: {  	s25 =	rddreg [dreg:$0x8];
	[sflag:s12] =	ssyncadd.s32 $0xFFFFE000  }
0x2d: {  	[hbm4b:s25+s3] =	stream.linear.scatter [tilespmem:s9], [sflag:$0x8], $0x2000, $0x38;
	[tilespmem:$0xCA00] =	vst v63  }
0x2e: {  	s26 =	simm.s32 $0xC0;
	s14 =	simm.s32 $0x6200;
	s15 =	simm.s32 $0x3  }
0x2f: {  	[tilespmem:s14], [sflag:$0x4] =	stream.indirect.gather [spmem:s2], $0x80, s26, s7, $0xb8;
	[tilespmem:$0xCA00] =	vst v63  }
0x30: {  	_ =	swait.ge [sflag:s15], $0x2000  }
0x31: {  	[sflag:s15] =	ssyncset.done $0x0  }
0x32: {  	s16 =	rddreg [dreg:$0x9];
	[sflag:s15] =	ssyncadd.s32 $0xFFFFE000  }
0x33: {  	[hbm4b:s16+s3] =	stream.linear.scatter [tilespmem:s11], [sflag:$0x9], $0x2000, $0x38;
	[tilespmem:$0xCA00] =	vst v63  }
0x34: {  	s18 =	simm.s32 $0x4;
	s17 =	simm.s32 $0x8200;
	s13 =	simm.s32 $0x100  }
0x35: {  	[tilespmem:s17], [sflag:$0x5] =	stream.indirect.gather [spmem:s2], $0x80, s13, s7, $0xb8;
	[tilespmem:$0xCA00] =	vst v63  }
0x36: {  	_ =	swait.ge [sflag:s18], $0x2000  }
0x37: {  	[sflag:s18] =	ssyncset.done $0x0  }
0x38: {  	s19 =	rddreg [dreg:$0xa];
	[sflag:s18] =	ssyncadd.s32 $0xFFFFE000  }
0x39: {  	[hbm4b:s19+s3] =	stream.linear.scatter [tilespmem:s14], [sflag:$0xA], $0x2000, $0x38;
	[tilespmem:$0xCA00] =	vst v63  }
0x3a: {  	s20 =	simm.s32 $0xA200;
	s21 =	simm.s32 $0x5;
	s19 =	simm.s32 $0x140  }
0x3b: {  	[tilespmem:s20], [sflag:$0x6] =	stream.indirect.gather [spmem:s2], $0x80, s19, s7, $0xb8;
	[tilespmem:$0xCA00] =	vst v63  }
0x3c: {  	_ =	swait.ge [sflag:s21], $0x2000  }
0x3d: {  	[sflag:s21] =	ssyncset.done $0x0  }
0x3e: {  	s22 =	simm.s32 $0x7;
	s23 =	rddreg [dreg:$0xb];
	[sflag:s21] =	ssyncadd.s32 $0xFFFFE000  }
0x3f: {  	[hbm4b:s23+s3] =	stream.linear.scatter [tilespmem:s17], [sflag:$0xB], $0x2000, $0x38;
	[tilespmem:$0xCA00] =	vst v63  }
0x40: {  	_ =	swait.ge [sflag:s22], $0x2000  }
0x41: {  	[sflag:s22] =	ssyncset.done $0x0  }
0x42: {  	s24 =	simm.s32 $0x6;
	s23 =	simm.s32 $0x180;
	[sflag:s22] =	ssyncadd.s32 $0xFFFFE000  }
0x43: {  	[tilespmem:s8], [sflag:$0x1] =	stream.indirect.gather [spmem:s2], $0x80, s23, s7, $0xb8;
	[tilespmem:$0xCA00] =	vst v63  }
0x44: {  	_ =	swait.ge [sflag:s24], $0x2000  }
0x45: {  	[sflag:s24] =	ssyncset.done $0x0  }
0x46: {  	s25 =	rddreg [dreg:$0xc];
	[sflag:s24] =	ssyncadd.s32 $0xFFFFE000  }
0x47: {  	[hbm4b:s25+s3] =	stream.linear.scatter [tilespmem:s20], [sflag:$0xC], $0x2000, $0x38;
	[tilespmem:$0xCA00] =	vst v63  }
0x48: {  	s25 =	simm.s32 $0x8  }
0x49: {  	_ =	swait.ge [sflag:s25], $0x2000  }
0x4a: {  	[sflag:s25] =	ssyncset.done $0x0  }
0x4b: {  	s26 =	simm.s32 $0x1C0;
	[sflag:s25] =	ssyncadd.s32 $0xFFFFE000  }
0x4c: {  	[tilespmem:s9], [sflag:$0x2] =	stream.indirect.gather [spmem:s2], $0x80, s26, s7, $0xb8;
	[tilespmem:$0xCA00] =	vst v63  }
0x4d: {  	_ =	swait.ge [sflag:s10], $0x2000  }
0x4e: {  	[sflag:s10] =	ssyncset.done $0x0  }
0x4f: {  	s28 =	rddreg [dreg:$0xd];
	[sflag:s10] =	ssyncadd.s32 $0xFFFFE000  }
0x50: {  	[hbm4b:s28+s3] =	stream.linear.scatter [tilespmem:s8], [sflag:$0x7], $0x2000, $0x38;
	[tilespmem:$0xCA00] =	vst v63  }
0x51: {  	_ =	swait.ge [sflag:s12], $0x2000  }
0x52: {  	[sflag:s12] =	ssyncset.done $0x0  }
0x53: {  	s28 =	rddreg [dreg:$0xe];
	[sflag:s12] =	ssyncadd.s32 $0xFFFFE000  }
0x54: {  	[hbm4b:s28+s3] =	stream.linear.scatter [tilespmem:s9], [sflag:$0x8], $0x2000, $0x38;
	[tilespmem:$0xCA00] =	vst v63  }
0x55: {  	s28 =	simm.s32 $0x9  }
0x56: {  	_ =	swait.ge [sflag:s28], $0x2000  }
0x57: {  	[sflag:s28] =	ssyncset.done $0x0  }
0x58: {  	s29 =	simm.s32 $0xA;
	[sflag:s28] =	ssyncadd.s32 $0xFFFFE000  }
0x59: {  	_ =	swait.ge [sflag:s29], $0x2000  }
0x5a: {  	[sflag:s29] =	ssyncset.done $0x0  }
0x5b: {  	s30 =	simm.s32 $0xB;
	[sflag:s29] =	ssyncadd.s32 $0xFFFFE000  }
0x5c: {  	s0 =	ssub.s32 $0x2, s0;
	_ =	swait.ge [sflag:s30], $0x2000  }
0x5d: {  	s16 =	sshrl.u32 s0, $0x1;
	[sflag:s30] =	ssyncset.done $0x0  }
0x5e: {  	s31 =	simm.s32 $0xC;
	s0 =	ssub.s32 s0, s16;
	[sflag:s30] =	ssyncadd.s32 $0xFFFFE000  }
0x5f: {  	s0 =	smax.u32 s0, $0x1;
	_ =	swait.ge [sflag:s31], $0x2000  }
0x60: {  	p0 =	sne.s32 s0, $0x1;
	[sflag:s31] =	ssyncset.done $0x0  }
.Ltmp0:
0x61: {  	[sflag:s31] =	ssyncadd.s32 $0xFFFFE000;
	(pc) =	sbr.rel @!p0 .LBB2_2-.Ltmp0, $4  }
0x62: {  	_ =	swait.ge [sflag:s22], $0x2000  }
0x63: {  	[sflag:s22] =	ssyncset.done $0x0  }
0x64: {  	[sflag:s22] =	ssyncadd.s32 $0xFFFFE000  }
0x65: {  	s0 =	sadd.s32 $0xFFFFFFFF, s0;
	_ =	swait.ge [sflag:s25], $0x2000  }
.LBB2_1:
0x66: {  	s1 =	rddreg [dreg:$0xf]  }
0x67: {  	[sflag:s25] =	ssyncset.done $0x0;
	s13 =	rddreg [dreg:$0x6]  }
0x68: {  	s16 =	rddreg [dreg:$0x5];
	[sflag:s25] =	ssyncadd.s32 $0xFFFFE000  }
0x69: {  	[spmem:s1], [sflag:s13] =	dma.local [hbm:s16], $0x100  }
0x6a: {  	s1 =	rddreg [dreg:$0x7]  }
0x6b: {  	[tilespmem:s3], [sflag:$0xE] =	stream.linear.gather [hbm4b:s1+s3], $0x200, $0x38;
	[tilespmem:$0xCA00] =	vst v63  }
0x6c: {  	_ =	swait.ge [sflag:s5], $0x100  }
0x6d: {  	[sflag:s5] =	ssyncset.done $0x0  }
0x6e: {  	[sflag:s5] =	ssyncadd.s32 $0xFFFFFF00  }
0x6f: {  	_ =	swait.ge [sflag:s6], $0x200  }
0x70: {  	[sflag:s6] =	ssyncset.done $0x0  }
0x71: {  	[sflag:s6] =	ssyncadd.s32 $0xFFFFFE00  }
0x72: {  	[bflag:$0x0] =	sbarrier.arrive $0xFFFF  }
0x73: {  	[tilespmem:s8], [sflag:$0x1] =	stream.indirect.gather [spmem:s2], $0x80, s3, s7, $0xb8;
	[tilespmem:$0xCA00] =	vst v63  }
0x74: {  	_ = 	snop  }
0x75: {  	[tilespmem:s9], [sflag:$0x2] =	stream.indirect.gather [spmem:s2], $0x80, s7, s7, $0xb8;
	[tilespmem:$0xCA00] =	vst v63  }
0x76: {  	_ =	swait.ge [sflag:s10], $0x2000  }
0x77: {  	[sflag:s10] =	ssyncset.done $0x0  }
0x78: {  	[sflag:s10] =	ssyncadd.s32 $0xFFFFE000  }
0x79: {  	[hbm4b:s4+s3] =	stream.linear.scatter [tilespmem:s8], [sflag:$0x7], $0x2000, $0x38;
	[tilespmem:$0xCA00] =	vst v63  }
0x7a: {  	s13 =	rddreg [dreg:$0x10]  }
0x7b: {  	[tilespmem:s11], [sflag:$0x3] =	stream.indirect.gather [spmem:s2], $0x80, s13, s7, $0xb8;
	[tilespmem:$0xCA00] =	vst v63  }
0x7c: {  	_ =	swait.ge [sflag:s12], $0x2000  }
0x7d: {  	[sflag:s12] =	ssyncset.done $0x0  }
0x7e: {  	s16 =	rddreg [dreg:$0x8];
	[sflag:s12] =	ssyncadd.s32 $0xFFFFE000  }
0x7f: {  	[hbm4b:s16+s3] =	stream.linear.scatter [tilespmem:s9], [sflag:$0x8], $0x2000, $0x38;
	[tilespmem:$0xCA00] =	vst v63  }
0x80: {  	s13 =	simm.s32 $0xC0  }
0x81: {  	[tilespmem:s14], [sflag:$0x4] =	stream.indirect.gather [spmem:s2], $0x80, s13, s7, $0xb8;
	[tilespmem:$0xCA00] =	vst v63  }
0x82: {  	_ =	swait.ge [sflag:s15], $0x2000  }
0x83: {  	[sflag:s15] =	ssyncset.done $0x0  }
0x84: {  	s16 =	rddreg [dreg:$0x9];
	[sflag:s15] =	ssyncadd.s32 $0xFFFFE000  }
0x85: {  	[hbm4b:s16+s3] =	stream.linear.scatter [tilespmem:s11], [sflag:$0x9], $0x2000, $0x38;
	[tilespmem:$0xCA00] =	vst v63  }
0x86: {  	s13 =	simm.s32 $0x100  }
0x87: {  	[tilespmem:s17], [sflag:$0x5] =	stream.indirect.gather [spmem:s2], $0x80, s13, s7, $0xb8;
	[tilespmem:$0xCA00] =	vst v63  }
0x88: {  	_ =	swait.ge [sflag:s18], $0x2000  }
0x89: {  	[sflag:s18] =	ssyncset.done $0x0  }
0x8a: {  	s16 =	rddreg [dreg:$0xa];
	[sflag:s18] =	ssyncadd.s32 $0xFFFFE000  }
0x8b: {  	[hbm4b:s16+s3] =	stream.linear.scatter [tilespmem:s14], [sflag:$0xA], $0x2000, $0x38;
	[tilespmem:$0xCA00] =	vst v63  }
0x8c: {  	_ = 	snop  }
0x8d: {  	[tilespmem:s20], [sflag:$0x6] =	stream.indirect.gather [spmem:s2], $0x80, s19, s7, $0xb8;
	[tilespmem:$0xCA00] =	vst v63  }
0x8e: {  	_ =	swait.ge [sflag:s21], $0x2000  }
0x8f: {  	[sflag:s21] =	ssyncset.done $0x0  }
0x90: {  	s13 =	rddreg [dreg:$0xb];
	[sflag:s21] =	ssyncadd.s32 $0xFFFFE000  }
0x91: {  	[hbm4b:s13+s3] =	stream.linear.scatter [tilespmem:s17], [sflag:$0xB], $0x2000, $0x38;
	[tilespmem:$0xCA00] =	vst v63  }
0x92: {  	_ =	swait.ge [sflag:s22], $0x2000  }
0x93: {  	[sflag:s22] =	ssyncset.done $0x0  }
0x94: {  	[sflag:s22] =	ssyncadd.s32 $0xFFFFE000  }
0x95: {  	[tilespmem:s8], [sflag:$0x1] =	stream.indirect.gather [spmem:s2], $0x80, s23, s7, $0xb8;
	[tilespmem:$0xCA00] =	vst v63  }
0x96: {  	_ =	swait.ge [sflag:s24], $0x2000  }
0x97: {  	[sflag:s24] =	ssyncset.done $0x0  }
0x98: {  	s16 =	rddreg [dreg:$0xc];
	[sflag:s24] =	ssyncadd.s32 $0xFFFFE000  }
0x99: {  	[hbm4b:s16+s3] =	stream.linear.scatter [tilespmem:s20], [sflag:$0xC], $0x2000, $0x38;
	[tilespmem:$0xCA00] =	vst v63  }
0x9a: {  	_ =	swait.ge [sflag:s25], $0x2000  }
0x9b: {  	[sflag:s25] =	ssyncset.done $0x0  }
0x9c: {  	[sflag:s25] =	ssyncadd.s32 $0xFFFFE000  }
0x9d: {  	[tilespmem:s9], [sflag:$0x2] =	stream.indirect.gather [spmem:s2], $0x80, s26, s7, $0xb8;
	[tilespmem:$0xCA00] =	vst v63  }
0x9e: {  	_ =	swait.ge [sflag:s10], $0x2000  }
0x9f: {  	[sflag:s10] =	ssyncset.done $0x0  }
0xa0: {  	s13 =	rddreg [dreg:$0xd];
	[sflag:s10] =	ssyncadd.s32 $0xFFFFE000  }
0xa1: {  	[hbm4b:s13+s3] =	stream.linear.scatter [tilespmem:s8], [sflag:$0x7], $0x2000, $0x38;
	[tilespmem:$0xCA00] =	vst v63  }
0xa2: {  	_ =	swait.ge [sflag:s12], $0x2000  }
0xa3: {  	[sflag:s12] =	ssyncset.done $0x0  }
0xa4: {  	s16 =	rddreg [dreg:$0xe];
	[sflag:s12] =	ssyncadd.s32 $0xFFFFE000  }
0xa5: {  	[hbm4b:s16+s3] =	stream.linear.scatter [tilespmem:s9], [sflag:$0x8], $0x2000, $0x38;
	[tilespmem:$0xCA00] =	vst v63  }
0xa6: {  	_ =	swait.ge [sflag:s28], $0x2000  }
0xa7: {  	[sflag:s28] =	ssyncset.done $0x0  }
0xa8: {  	[sflag:s28] =	ssyncadd.s32 $0xFFFFE000  }
0xa9: {  	_ =	swait.ge [sflag:s29], $0x2000  }
0xaa: {  	[sflag:s29] =	ssyncset.done $0x0  }
0xab: {  	[sflag:s29] =	ssyncadd.s32 $0xFFFFE000  }
0xac: {  	_ =	swait.ge [sflag:s30], $0x2000  }
0xad: {  	[sflag:s30] =	ssyncset.done $0x0  }
0xae: {  	[sflag:s30] =	ssyncadd.s32 $0xFFFFE000  }
0xaf: {  	_ =	swait.ge [sflag:s31], $0x2000  }
0xb0: {  	p0 =	sne.s32 s0, $0x1;
	[sflag:s31] =	ssyncset.done $0x0  }
.Ltmp1:
0xb1: {  	[sflag:s31] =	ssyncadd.s32 $0xFFFFE000;
	(pc) =	sbr.rel @p0 .LBB2_1-.Ltmp1, $4  }
0xb2: {  	_ =	swait.ge [sflag:s22], $0x2000  }
0xb3: {  	[sflag:s22] =	ssyncset.done $0x0  }
0xb4: {  	[sflag:s22] =	ssyncadd.s32 $0xFFFFE000  }
0xb5: {  	s0 =	sadd.s32 $0xFFFFFFFF, s0;
	_ =	swait.ge [sflag:s25], $0x2000  }
.LBB2_2:
0xb6: {  	[sflag:s25] =	ssyncset.done $0x0  }
0xb7: {  	[sflag:s25] =	ssyncadd.s32 $0xFFFFE000  }
0xb8: {  	_ =	sfence.sel $0x180000  }
0xb9: {  	[bflag:$0x0] =	sbarrier.arrive $0xFFFF  }
0xba: {  	_ =	strace $0x90000047  }
0xbb: {  	s0 =	stileid.u32;
	[bflag:$0x2] =	sbarrier.arrive $0xFFFF  }
0xbc: {  	p0 =	sne.s32 s0, $0x0;
	s0 =	rddreg [dreg:$0x4]  }
0xbd: {  	s0 =	sadd.s32 @!p0 $0x100000, s0  }
0xbe: {  	[sflag:s0] =	ssyncadd.tile.s32 @!p0 $0x1;
	_ =	shalt  }
.Lfunc_end2:
_tile_overlayer_lowered:
.L_overlay_start_2:
0xbf: {  	(tag) =	ssettag $0x2  }
0xc0: {  	s0 =	rddreg [dreg:$0x0];
	s2 =	stileid.u32  }
0xc1: {  	s1 =	rddreg [dreg:$0x1];
	p0 =	sne.s32 s2, $0x0  }
0xc2: {  	s3 =	rddreg [dreg:$0x2];
	[bflag:$0x3] =	sbarrier.arrive $0xFFFF;
	s2 =	simm.s32 @!p0 $0x1C0F  }
0xc3: {  	[timem:s3], [sflag:s2] =	dma.local @!p0 [hbm:s0], s1  }
0xc4: {  	s0 =	simm.s32 @!p0 $0xF  }
0xc5: {  	_ =	swait.ge @!p0 [sflag:s0], s1  }
0xc6: {  	s1 =	ssub.s32 @!p0 $0x0, s1;
	[sflag:s0] =	ssyncset.done @!p0 $0x0  }
0xc7: {  	[sflag:s0] =	ssyncadd.s32 @!p0 s1  }
0xc8: {  	[bflag:$0x3] =	sbarrier.arrive $0xFFFF  }
0xc9: {  	_ =	shalt  }

</sc_bundles>
